<compile_context>
chip_gen: v7x
topology: tpu7x:2x2x1
jax: 0.10.2.dev20260603
libtpu: 0.0.44.dev20260713+nightly
codegen_flags: <defaults>
</compile_context>

<pallas_src>
import functools
import jax
import jax.numpy as jnp
from jax import lax
from jax.experimental import pallas as pl
from jax.experimental.pallas import tpu as pltpu
from jax.experimental.pallas import tpu_sc as plsc

_G = 512
_WP = 10
_WF = 10
_B = 32
_L = 110
_A = 110
_AP = 112
_BPB = 16
_NEG = -1e9


def _score_kernel(lens_ref, nf_ref, w_ref, s_ref):
    i0 = pl.program_id(0)
    nf = nf_ref[...]
    w = w_ref[...]
    nfh = nf.astype(jnp.bfloat16)
    wh = w.astype(jnp.bfloat16)
    att = jax.lax.dot_general(
        nfh, wh, (((2,), (1,)), ((), ())), preferred_element_type=jnp.float32)
    s = jax.lax.dot_general(
        nfh, att.astype(jnp.bfloat16), (((2,), (2,)), ((0,), (0,))),
        preferred_element_type=jnp.float32)

    row = jax.lax.broadcasted_iota(jnp.int32, (_L, _AP), 0)
    col = jax.lax.broadcasted_iota(jnp.int32, (_L, _AP), 1)
    band = (col >= row - _WP) & (col <= row + _WF)
    mc = jnp.maximum(row, col)
    pad = jnp.full((_L, _AP - _A), _NEG, dtype=jnp.float32)
    for bb in range(_BPB):
        ln = lens_ref[i0 * _BPB + bb]
        active = band & (mc <= ln - 1)
        sb = jnp.concatenate([s[bb], pad], axis=1)
        s_ref[bb] = jnp.where(active, sb, _NEG)


def _tc_scores(node_features, text_len_tensor, weight):
    grid_spec = pltpu.PrefetchScalarGridSpec(
        num_scalar_prefetch=1,
        grid=(_B // _BPB,),
        in_specs=[
            pl.BlockSpec((_BPB, _L, _G), lambda b, lens_ref: (b, 0, 0)),
            pl.BlockSpec((_G, _G), lambda b, lens_ref: (0, 0)),
        ],
        out_specs=pl.BlockSpec((_BPB, _L, _AP), lambda b, lens_ref: (b, 0, 0)),
    )
    return pl.pallas_call(
        _score_kernel,
        grid_spec=grid_spec,
        out_shape=jax.ShapeDtypeStruct((_B, _L, _AP), jnp.float32),
    )(text_len_tensor, node_features, weight)


_NCHUNK = _AP // 16


def _sc_softmax_body(s_hbm, out_hbm, s_v, o_v, sem):
    wid = lax.axis_index("s") * 2 + lax.axis_index("c")
    pltpu.sync_copy(s_hbm.at[wid], s_v)

    lane = lax.iota(jnp.int32, 16)

    def body(j, carry):
        es = []
        den = jnp.zeros((16,), jnp.float32)
        for c in range(_NCHUNK):
            e = jnp.exp(s_v[j, pl.ds(16 * c, 16)])
            es.append(e)
            den = den + e
        for sh in (8, 4, 2, 1):
            den = den + den.at[jnp.bitwise_xor(lane, sh)].get(
                mode="promise_in_bounds")
        inv = jnp.where(den > 0.0, 1.0 / den, 0.0)
        for c in range(_NCHUNK - 1):
            o_v[j, pl.ds(16 * c, 16)] = es[c] * inv
        o_v[j, pl.ds(_A - 16, 16)] = jnp.exp(s_v[j, pl.ds(_A - 16, 16)]) * inv
        return carry

    lax.fori_loop(0, _L, body, jnp.int32(0))
    pltpu.sync_copy(o_v, out_hbm.at[wid])


def _sc_softmax(scores):
    mesh = plsc.VectorSubcoreMesh(core_axis_name="c", subcore_axis_name="s")
    kfn = functools.partial(
        pl.kernel,
        mesh=mesh,
        out_type=jax.ShapeDtypeStruct((_B, _L, _A), jnp.float32),
        scratch_types=[
            pltpu.VMEM((_L, _AP), jnp.float32),
            pltpu.VMEM((_L, _A), jnp.float32),
            pltpu.SemaphoreType.DMA,
        ],
    )(_sc_softmax_body)
    return kfn(scores)


def kernel(node_features, text_len_tensor, edge_ind, weight):
    del edge_ind
    lens = text_len_tensor.astype(jnp.int32)
    scores = _tc_scores(node_features, lens, weight)
    return _sc_softmax(scores)

# --- scband reference (transcript-rebuilt; emitter-appended) ---
"""Pipeline reference for scband-edge-att-4037269259072 (READ-ONLY COPY).

The authoritative reference and input builder live on the scoring server;
editing this copy changes nothing except your own understanding.
"""

import jax, jax.numpy as jnp
import numpy as np

G_DIM = 512
WP = 10
WF = 10
B = 32
L = 110
ALPHA_COLS = 110


def setup_inputs(seed: int = 0) -> dict:
    key = jax.random.key(seed)
    k1, k2, k3, k4 = jax.random.split(key, 4)
    node_features = jax.random.normal(k1, (B, L, G_DIM), dtype=jnp.float32)
    text_len_tensor = jax.random.randint(k2, (B,), 0, 110)
    edge_ind = jax.random.randint(k3, (2, 128), 0, 110)
    # weight initialized as in the module: normal(0, var) with var = 2/(g+g)
    var = 2.0 / (G_DIM + G_DIM)
    weight = jax.random.normal(k4, (G_DIM, G_DIM), dtype=jnp.float32) * var
    return {"node_features": node_features, "text_len_tensor": text_len_tensor, "edge_ind": edge_ind, "weight": weight}


def reference(node_features, text_len_tensor, edge_ind, weight):
    # edge_ind is accepted by the original forward but unused.
    b, mx_len, g = node_features.shape
    # att_matrix[b, l] = W @ node_features[b, l]
    att_matrix = jnp.einsum('ij,blj->bli', weight, node_features)
    lens = text_len_tensor.astype(jnp.int32)
    alpha = jnp.zeros((b, mx_len, ALPHA_COLS), dtype=jnp.float32)
    for j in range(mx_len):
        s = max(j - WP, 0)
        hi = min(j + WF, mx_len - 1)  # further clipped per-row to cur_len-1 via mask
        tmp = att_matrix[:, s:hi + 1, :]            # [B, w, g]
        feat = node_features[:, j, :]               # [B, g]
        score = jnp.einsum('bwg,bg->bw', tmp, feat)  # [B, w]
        pos = jnp.arange(s, hi + 1)
        valid = pos[None, :] <= (lens[:, None] - 1)  # window end e = min(j+wf, cur_len-1)
        score = jnp.where(valid, score, -1e9)
        probs = jax.nn.softmax(score, axis=-1)
        row_active = (j < lens)[:, None]             # only rows j < cur_len are written
        probs = jnp.where(valid & row_active, probs, 0.0)
        alpha = alpha.at[:, j, s:hi + 1].set(probs)
    # original returns a python list of per-batch [mx_len, 110] tensors; we stack them
    return alpha

if __name__ == "__main__":
    import jax
    _d = setup_inputs()
    print(jax.jit(kernel)(*tuple(_d.values())))

</pallas_src>

<mosaic_0001>
#map = affine_map<(d0, d1) -> (0, 0, 0)>
module attributes {stable_mosaic.version = 14 : i64} {
  func.func @_sc_softmax_body(%arg0: i32, %arg1: i32, %arg2: memref<32x110x112xf32, #tpu.memory_space<hbm>>, %arg3: memref<32x110x110xf32, #tpu.memory_space<hbm>>, %arg4: memref<110x112xf32, #tpu.memory_space<vmem>>, %arg5: memref<110x110xf32, #tpu.memory_space<vmem>>, %arg6: memref<!tpu.dma_semaphore, #tpu.memory_space<semaphore_mem>>) attributes {dimension_semantics = [#tpu.dimension_semantics<core_parallel>, #tpu.dimension_semantics<subcore_parallel>], iteration_bounds = array<i64: 2, 16>, scalar_prefetch = 0 : i64, scratch_operands = 3 : i64, tpu.core_type = #tpu.core_type<sc_vector_subcore>, window_params = [{transform_indices = #map}, {transform_indices = #map}]} {
    %mul3A = arith.constant 2 : i32
    %mul3A_0 = arith.muli %arg1, %mul3A : i32
    %add3A = arith.addi %mul3A_0, %arg0 : i32
    "tpu.region"() ({
      %run_scoped3A = tpu.sem_alloc : memref<!tpu.dma_semaphore, #tpu.memory_space<semaphore_mem>>
      %dma_start3A = arith.constant 0 : i32
      %dma_start3A_6 = arith.constant 0 : i32
      %dma_start3A_7 = tpu.memref_slice %arg2[%add3A, %dma_start3A, %dma_start3A_6] : memref<32x110x112xf32, #tpu.memory_space<hbm>> -> memref<1x110x112xf32, #tpu.memory_space<hbm>>
      %dma_start3A_8 = tpu.memref_squeeze %dma_start3A_7 : memref<1x110x112xf32, #tpu.memory_space<hbm>> -> memref<110x112xf32, #tpu.memory_space<hbm>>
      %dma_start3A_9 = arith.constant 0 : i32
      %dma_start3A_10 = arith.constant 0 : i32
      %dma_start3A_11 = tpu.memref_slice %arg2[%add3A, %dma_start3A_9, %dma_start3A_10] : memref<32x110x112xf32, #tpu.memory_space<hbm>> -> memref<1x110x112xf32, #tpu.memory_space<hbm>>
      %dma_start3A_12 = tpu.memref_squeeze %dma_start3A_11 : memref<1x110x112xf32, #tpu.memory_space<hbm>> -> memref<110x112xf32, #tpu.memory_space<hbm>>
      tpu.enqueue_dma source(%dma_start3A_12 : memref<110x112xf32, #tpu.memory_space<hbm>>) target(%arg4 : memref<110x112xf32, #tpu.memory_space<vmem>>) target_semaphore(%run_scoped3A : memref<!tpu.dma_semaphore, #tpu.memory_space<semaphore_mem>>)
      %dma_wait3A = arith.constant 0 : i32
      %dma_wait3A_13 = arith.constant 0 : i32
      %dma_wait3A_14 = tpu.memref_slice %arg2[%add3A, %dma_wait3A, %dma_wait3A_13] : memref<32x110x112xf32, #tpu.memory_space<hbm>> -> memref<1x110x112xf32, #tpu.memory_space<hbm>>
      %dma_wait3A_15 = tpu.memref_squeeze %dma_wait3A_14 : memref<1x110x112xf32, #tpu.memory_space<hbm>> -> memref<110x112xf32, #tpu.memory_space<hbm>>
      %dma_wait3A_16 = arith.constant 0 : i32
      %dma_wait3A_17 = arith.constant 0 : i32
      %dma_wait3A_18 = tpu.memref_slice %arg2[%add3A, %dma_wait3A_16, %dma_wait3A_17] : memref<32x110x112xf32, #tpu.memory_space<hbm>> -> memref<1x110x112xf32, #tpu.memory_space<hbm>>
      %dma_wait3A_19 = tpu.memref_squeeze %dma_wait3A_18 : memref<1x110x112xf32, #tpu.memory_space<hbm>> -> memref<110x112xf32, #tpu.memory_space<hbm>>
      tpu.wait_dma2 semaphore(%run_scoped3A : memref<!tpu.dma_semaphore, #tpu.memory_space<semaphore_mem>>) src(%dma_wait3A_19 : memref<110x112xf32, #tpu.memory_space<hbm>>) dst(%arg4 : memref<110x112xf32, #tpu.memory_space<vmem>>)
      tpu.yield
    }) : () -> ()
    %iota3A = tpu.iota {dimensions = array<i32: 0>} : vector<16xi32>
    %scan3A = arith.constant 0 : i32
    %scan3A_1 = arith.constant 0 : i32
    %scan3A_2 = arith.constant 110 : i32
    %scan3A_3 = arith.addi %scan3A_1, %scan3A_2 : i32
    %scan3A_4 = arith.constant 1 : i32
    scf.for %scan3A_6 = %scan3A_1 to %scan3A_3 step %scan3A_4  : i32 {
      %broadcast_in_dim3A = arith.constant 0.000000e+00 : f32
      %broadcast_in_dim3A_7 = vector.broadcast %broadcast_in_dim3A : f32 to vector<16xf32>
      %get3A = arith.index_cast %scan3A_6 : i32 to index
      %get3A_8 = arith.constant 0 : index
      %get3A_9 = tpu.vector_load %arg4[%get3A, %get3A_8] {strides = array<i32>} : memref<110x112xf32, #tpu.memory_space<vmem>>, vector<1x16xf32>,
      %get3A_10 = vector.shape_cast %get3A_9 : vector<1x16xf32> to vector<16xf32>
      %exp3A = math.exp %get3A_10 : vector<16xf32>
      %add3A_11 = arith.addf %broadcast_in_dim3A_7, %exp3A : vector<16xf32>
      %get3A_12 = arith.index_cast %scan3A_6 : i32 to index
      %get3A_13 = arith.constant 16 : index
      %get3A_14 = tpu.vector_load %arg4[%get3A_12, %get3A_13] {strides = array<i32>} : memref<110x112xf32, #tpu.memory_space<vmem>>, vector<1x16xf32>,
      %get3A_15 = vector.shape_cast %get3A_14 : vector<1x16xf32> to vector<16xf32>
      %exp3A_16 = math.exp %get3A_15 : vector<16xf32>
      %add3A_17 = arith.addf %add3A_11, %exp3A_16 : vector<16xf32>
      %get3A_18 = arith.index_cast %scan3A_6 : i32 to index
      %get3A_19 = arith.constant 32 : index
      %get3A_20 = tpu.vector_load %arg4[%get3A_18, %get3A_19] {strides = array<i32>} : memref<110x112xf32, #tpu.memory_space<vmem>>, vector<1x16xf32>,
      %get3A_21 = vector.shape_cast %get3A_20 : vector<1x16xf32> to vector<16xf32>
      %exp3A_22 = math.exp %get3A_21 : vector<16xf32>
      %add3A_23 = arith.addf %add3A_17, %exp3A_22 : vector<16xf32>
      %get3A_24 = arith.index_cast %scan3A_6 : i32 to index
      %get3A_25 = arith.constant 48 : index
      %get3A_26 = tpu.vector_load %arg4[%get3A_24, %get3A_25] {strides = array<i32>} : memref<110x112xf32, #tpu.memory_space<vmem>>, vector<1x16xf32>,
      %get3A_27 = vector.shape_cast %get3A_26 : vector<1x16xf32> to vector<16xf32>
      %exp3A_28 = math.exp %get3A_27 : vector<16xf32>
      %add3A_29 = arith.addf %add3A_23, %exp3A_28 : vector<16xf32>
      %get3A_30 = arith.index_cast %scan3A_6 : i32 to index
      %get3A_31 = arith.constant 64 : index
      %get3A_32 = tpu.vector_load %arg4[%get3A_30, %get3A_31] {strides = array<i32>} : memref<110x112xf32, #tpu.memory_space<vmem>>, vector<1x16xf32>,
      %get3A_33 = vector.shape_cast %get3A_32 : vector<1x16xf32> to vector<16xf32>
      %exp3A_34 = math.exp %get3A_33 : vector<16xf32>
      %add3A_35 = arith.addf %add3A_29, %exp3A_34 : vector<16xf32>
      %get3A_36 = arith.index_cast %scan3A_6 : i32 to index
      %get3A_37 = arith.constant 80 : index
      %get3A_38 = tpu.vector_load %arg4[%get3A_36, %get3A_37] {strides = array<i32>} : memref<110x112xf32, #tpu.memory_space<vmem>>, vector<1x16xf32>,
      %get3A_39 = vector.shape_cast %get3A_38 : vector<1x16xf32> to vector<16xf32>
      %exp3A_40 = math.exp %get3A_39 : vector<16xf32>
      %add3A_41 = arith.addf %add3A_35, %exp3A_40 : vector<16xf32>
      %get3A_42 = arith.index_cast %scan3A_6 : i32 to index
      %get3A_43 = arith.constant 96 : index
      %get3A_44 = tpu.vector_load %arg4[%get3A_42, %get3A_43] {strides = array<i32>} : memref<110x112xf32, #tpu.memory_space<vmem>>, vector<1x16xf32>,
      %get3A_45 = vector.shape_cast %get3A_44 : vector<1x16xf32> to vector<16xf32>
      %exp3A_46 = math.exp %get3A_45 : vector<16xf32>
      %add3A_47 = arith.addf %add3A_41, %exp3A_46 : vector<16xf32>
      %xor3A = arith.constant 8 : i32
      %xor3A_48 = vector.broadcast %xor3A : i32 to vector<16xi32>
      %xor3A_49 = arith.xori %iota3A, %xor3A_48 : vector<16xi32>
      %lt3A = arith.constant 0 : i32
      %lt3A_50 = vector.broadcast %lt3A : i32 to vector<16xi32>
      %lt3A_51 = arith.cmpi slt, %xor3A_49, %lt3A_50 : vector<16xi32>
      %add3A_52 = arith.constant 16 : i32
      %add3A_53 = vector.broadcast %add3A_52 : i32 to vector<16xi32>
      %add3A_54 = arith.addi %xor3A_49, %add3A_53 : vector<16xi32>
      %select_n3A = arith.select %lt3A_51, %add3A_54, %xor3A_49 : vector<16xi1>, vector<16xi32>
      %broadcast_in_dim3A_55 = vector.shape_cast %select_n3A : vector<16xi32> to vector<16x1xi32>
      %gather3A = vector.shape_cast %broadcast_in_dim3A_55 : vector<16x1xi32> to vector<16xi32>
      %gather3A_56 = tpu.dynamic_gather %add3A_47[%gather3A] in [0] : vector<16xf32>, vector<16xi32> -> vector<16xf32>
      %add3A_57 = arith.addf %add3A_47, %gather3A_56 : vector<16xf32>
      %xor3A_58 = arith.constant 4 : i32
      %xor3A_59 = vector.broadcast %xor3A_58 : i32 to vector<16xi32>
      %xor3A_60 = arith.xori %iota3A, %xor3A_59 : vector<16xi32>
      %lt3A_61 = arith.constant 0 : i32
      %lt3A_62 = vector.broadcast %lt3A_61 : i32 to vector<16xi32>
      %lt3A_63 = arith.cmpi slt, %xor3A_60, %lt3A_62 : vector<16xi32>
      %add3A_64 = arith.constant 16 : i32
      %add3A_65 = vector.broadcast %add3A_64 : i32 to vector<16xi32>
      %add3A_66 = arith.addi %xor3A_60, %add3A_65 : vector<16xi32>
      %select_n3A_67 = arith.select %lt3A_63, %add3A_66, %xor3A_60 : vector<16xi1>, vector<16xi32>
      %broadcast_in_dim3A_68 = vector.shape_cast %select_n3A_67 : vector<16xi32> to vector<16x1xi32>
      %gather3A_69 = vector.shape_cast %broadcast_in_dim3A_68 : vector<16x1xi32> to vector<16xi32>
      %gather3A_70 = tpu.dynamic_gather %add3A_57[%gather3A_69] in [0] : vector<16xf32>, vector<16xi32> -> vector<16xf32>
      %add3A_71 = arith.addf %add3A_57, %gather3A_70 : vector<16xf32>
      %xor3A_72 = arith.constant 2 : i32
      %xor3A_73 = vector.broadcast %xor3A_72 : i32 to vector<16xi32>
      %xor3A_74 = arith.xori %iota3A, %xor3A_73 : vector<16xi32>
      %lt3A_75 = arith.constant 0 : i32
      %lt3A_76 = vector.broadcast %lt3A_75 : i32 to vector<16xi32>
      %lt3A_77 = arith.cmpi slt, %xor3A_74, %lt3A_76 : vector<16xi32>
      %add3A_78 = arith.constant 16 : i32
      %add3A_79 = vector.broadcast %add3A_78 : i32 to vector<16xi32>
      %add3A_80 = arith.addi %xor3A_74, %add3A_79 : vector<16xi32>
      %select_n3A_81 = arith.select %lt3A_77, %add3A_80, %xor3A_74 : vector<16xi1>, vector<16xi32>
      %broadcast_in_dim3A_82 = vector.shape_cast %select_n3A_81 : vector<16xi32> to vector<16x1xi32>
      %gather3A_83 = vector.shape_cast %broadcast_in_dim3A_82 : vector<16x1xi32> to vector<16xi32>
      %gather3A_84 = tpu.dynamic_gather %add3A_71[%gather3A_83] in [0] : vector<16xf32>, vector<16xi32> -> vector<16xf32>
      %add3A_85 = arith.addf %add3A_71, %gather3A_84 : vector<16xf32>
      %xor3A_86 = arith.constant 1 : i32
      %xor3A_87 = vector.broadcast %xor3A_86 : i32 to vector<16xi32>
      %xor3A_88 = arith.xori %iota3A, %xor3A_87 : vector<16xi32>
      %lt3A_89 = arith.constant 0 : i32
      %lt3A_90 = vector.broadcast %lt3A_89 : i32 to vector<16xi32>
      %lt3A_91 = arith.cmpi slt, %xor3A_88, %lt3A_90 : vector<16xi32>
      %add3A_92 = arith.constant 16 : i32
      %add3A_93 = vector.broadcast %add3A_92 : i32 to vector<16xi32>
      %add3A_94 = arith.addi %xor3A_88, %add3A_93 : vector<16xi32>
      %select_n3A_95 = arith.select %lt3A_91, %add3A_94, %xor3A_88 : vector<16xi1>, vector<16xi32>
      %broadcast_in_dim3A_96 = vector.shape_cast %select_n3A_95 : vector<16xi32> to vector<16x1xi32>
      %gather3A_97 = vector.shape_cast %broadcast_in_dim3A_96 : vector<16x1xi32> to vector<16xi32>
      %gather3A_98 = tpu.dynamic_gather %add3A_85[%gather3A_97] in [0] : vector<16xf32>, vector<16xi32> -> vector<16xf32>
      %add3A_99 = arith.addf %add3A_85, %gather3A_98 : vector<16xf32>
      %gt3A = arith.constant 0.000000e+00 : f32
      %gt3A_100 = vector.broadcast %gt3A : f32 to vector<16xf32>
      %gt3A_101 = arith.cmpf ogt, %add3A_99, %gt3A_100 : vector<16xf32>
      %div3A = arith.constant 1.000000e+00 : f32
      %div3A_102 = vector.broadcast %div3A : f32 to vector<16xf32>
      %div3A_103 = arith.divf %div3A_102, %add3A_99 : vector<16xf32>
      %jit3A = arith.constant 0.000000e+00 : f32
      %broadcast_in_dim3A_104 = vector.broadcast %jit3A : f32 to vector<16xf32>
      %select_n3A_105 = arith.select %gt3A_101, %div3A_103, %broadcast_in_dim3A_104 : vector<16xi1>, vector<16xf32>
      %mul3A_106 = arith.mulf %exp3A, %select_n3A_105 : vector<16xf32>
      %swap3A = arith.index_cast %scan3A_6 : i32 to index
      %swap3A_107 = arith.constant 0 : index
      %swap3A_108 = tpu.vector_load %arg5[%swap3A, %swap3A_107] {strides = array<i32>} : memref<110x110xf32, #tpu.memory_space<vmem>>, vector<1x16xf32>,
      %swap3A_109 = vector.shape_cast %swap3A_108 : vector<1x16xf32> to vector<16xf32>
      %swap3A_110 = vector.shape_cast %mul3A_106 : vector<16xf32> to vector<1x16xf32>
      tpu.vector_store %arg5[%swap3A, %swap3A_107], %swap3A_110 {strides = array<i32>} : memref<110x110xf32, #tpu.memory_space<vmem>>, vector<1x16xf32>,
      %mul3A_111 = arith.mulf %exp3A_16, %select_n3A_105 : vector<16xf32>
      %swap3A_112 = arith.index_cast %scan3A_6 : i32 to index
      %swap3A_113 = arith.constant 16 : index
      %swap3A_114 = tpu.vector_load %arg5[%swap3A_112, %swap3A_113] {strides = array<i32>} : memref<110x110xf32, #tpu.memory_space<vmem>>, vector<1x16xf32>,
      %swap3A_115 = vector.shape_cast %swap3A_114 : vector<1x16xf32> to vector<16xf32>
      %swap3A_116 = vector.shape_cast %mul3A_111 : vector<16xf32> to vector<1x16xf32>
      tpu.vector_store %arg5[%swap3A_112, %swap3A_113], %swap3A_116 {strides = array<i32>} : memref<110x110xf32, #tpu.memory_space<vmem>>, vector<1x16xf32>,
      %mul3A_117 = arith.mulf %exp3A_22, %select_n3A_105 : vector<16xf32>
      %swap3A_118 = arith.index_cast %scan3A_6 : i32 to index
      %swap3A_119 = arith.constant 32 : index
      %swap3A_120 = tpu.vector_load %arg5[%swap3A_118, %swap3A_119] {strides = array<i32>} : memref<110x110xf32, #tpu.memory_space<vmem>>, vector<1x16xf32>,
      %swap3A_121 = vector.shape_cast %swap3A_120 : vector<1x16xf32> to vector<16xf32>
      %swap3A_122 = vector.shape_cast %mul3A_117 : vector<16xf32> to vector<1x16xf32>
      tpu.vector_store %arg5[%swap3A_118, %swap3A_119], %swap3A_122 {strides = array<i32>} : memref<110x110xf32, #tpu.memory_space<vmem>>, vector<1x16xf32>,
      %mul3A_123 = arith.mulf %exp3A_28, %select_n3A_105 : vector<16xf32>
      %swap3A_124 = arith.index_cast %scan3A_6 : i32 to index
      %swap3A_125 = arith.constant 48 : index
      %swap3A_126 = tpu.vector_load %arg5[%swap3A_124, %swap3A_125] {strides = array<i32>} : memref<110x110xf32, #tpu.memory_space<vmem>>, vector<1x16xf32>,
      %swap3A_127 = vector.shape_cast %swap3A_126 : vector<1x16xf32> to vector<16xf32>
      %swap3A_128 = vector.shape_cast %mul3A_123 : vector<16xf32> to vector<1x16xf32>
      tpu.vector_store %arg5[%swap3A_124, %swap3A_125], %swap3A_128 {strides = array<i32>} : memref<110x110xf32, #tpu.memory_space<vmem>>, vector<1x16xf32>,
      %mul3A_129 = arith.mulf %exp3A_34, %select_n3A_105 : vector<16xf32>
      %swap3A_130 = arith.index_cast %scan3A_6 : i32 to index
      %swap3A_131 = arith.constant 64 : index
      %swap3A_132 = tpu.vector_load %arg5[%swap3A_130, %swap3A_131] {strides = array<i32>} : memref<110x110xf32, #tpu.memory_space<vmem>>, vector<1x16xf32>,
      %swap3A_133 = vector.shape_cast %swap3A_132 : vector<1x16xf32> to vector<16xf32>
      %swap3A_134 = vector.shape_cast %mul3A_129 : vector<16xf32> to vector<1x16xf32>
      tpu.vector_store %arg5[%swap3A_130, %swap3A_131], %swap3A_134 {strides = array<i32>} : memref<110x110xf32, #tpu.memory_space<vmem>>, vector<1x16xf32>,
      %mul3A_135 = arith.mulf %exp3A_40, %select_n3A_105 : vector<16xf32>
      %swap3A_136 = arith.index_cast %scan3A_6 : i32 to index
      %swap3A_137 = arith.constant 80 : index
      %swap3A_138 = tpu.vector_load %arg5[%swap3A_136, %swap3A_137] {strides = array<i32>} : memref<110x110xf32, #tpu.memory_space<vmem>>, vector<1x16xf32>,
      %swap3A_139 = vector.shape_cast %swap3A_138 : vector<1x16xf32> to vector<16xf32>
      %swap3A_140 = vector.shape_cast %mul3A_135 : vector<16xf32> to vector<1x16xf32>
      tpu.vector_store %arg5[%swap3A_136, %swap3A_137], %swap3A_140 {strides = array<i32>} : memref<110x110xf32, #tpu.memory_space<vmem>>, vector<1x16xf32>,
      %get3A_141 = arith.index_cast %scan3A_6 : i32 to index
      %get3A_142 = arith.constant 94 : index
      %get3A_143 = tpu.vector_load %arg4[%get3A_141, %get3A_142] {strides = array<i32>} : memref<110x112xf32, #tpu.memory_space<vmem>>, vector<1x16xf32>,
      %get3A_144 = vector.shape_cast %get3A_143 : vector<1x16xf32> to vector<16xf32>
      %exp3A_145 = math.exp %get3A_144 : vector<16xf32>
      %mul3A_146 = arith.mulf %exp3A_145, %select_n3A_105 : vector<16xf32>
      %swap3A_147 = arith.index_cast %scan3A_6 : i32 to index
      %swap3A_148 = arith.constant 94 : index
      %swap3A_149 = tpu.vector_load %arg5[%swap3A_147, %swap3A_148] {strides = array<i32>} : memref<110x110xf32, #tpu.memory_space<vmem>>, vector<1x16xf32>,
      %swap3A_150 = vector.shape_cast %swap3A_149 : vector<1x16xf32> to vector<16xf32>
      %swap3A_151 = vector.shape_cast %mul3A_146 : vector<16xf32> to vector<1x16xf32>
      tpu.vector_store %arg5[%swap3A_147, %swap3A_148], %swap3A_151 {strides = array<i32>} : memref<110x110xf32, #tpu.memory_space<vmem>>, vector<1x16xf32>,
    }
    %scan3A_5 = arith.constant 110 : i32
    "tpu.region"() ({
      %run_scoped3A = tpu.sem_alloc : memref<!tpu.dma_semaphore, #tpu.memory_space<semaphore_mem>>
      %dma_start3A = arith.constant 0 : i32
      %dma_start3A_6 = arith.constant 0 : i32
      %dma_start3A_7 = tpu.memref_slice %arg3[%add3A, %dma_start3A, %dma_start3A_6] : memref<32x110x110xf32, #tpu.memory_space<hbm>> -> memref<1x110x110xf32, #tpu.memory_space<hbm>>
      %dma_start3A_8 = tpu.memref_squeeze %dma_start3A_7 : memref<1x110x110xf32, #tpu.memory_space<hbm>> -> memref<110x110xf32, #tpu.memory_space<hbm>>
      %dma_start3A_9 = arith.constant 0 : i32
      %dma_start3A_10 = arith.constant 0 : i32
      %dma_start3A_11 = tpu.memref_slice %arg3[%add3A, %dma_start3A_9, %dma_start3A_10] : memref<32x110x110xf32, #tpu.memory_space<hbm>> -> memref<1x110x110xf32, #tpu.memory_space<hbm>>
      %dma_start3A_12 = tpu.memref_squeeze %dma_start3A_11 : memref<1x110x110xf32, #tpu.memory_space<hbm>> -> memref<110x110xf32, #tpu.memory_space<hbm>>
      tpu.enqueue_dma source(%arg5 : memref<110x110xf32, #tpu.memory_space<vmem>>) target(%dma_start3A_12 : memref<110x110xf32, #tpu.memory_space<hbm>>) target_semaphore(%run_scoped3A : memref<!tpu.dma_semaphore, #tpu.memory_space<semaphore_mem>>)
      %dma_wait3A = arith.constant 0 : i32
      %dma_wait3A_13 = arith.constant 0 : i32
      %dma_wait3A_14 = tpu.memref_slice %arg3[%add3A, %dma_wait3A, %dma_wait3A_13] : memref<32x110x110xf32, #tpu.memory_space<hbm>> -> memref<1x110x110xf32, #tpu.memory_space<hbm>>
      %dma_wait3A_15 = tpu.memref_squeeze %dma_wait3A_14 : memref<1x110x110xf32, #tpu.memory_space<hbm>> -> memref<110x110xf32, #tpu.memory_space<hbm>>
      %dma_wait3A_16 = arith.constant 0 : i32
      %dma_wait3A_17 = arith.constant 0 : i32
      %dma_wait3A_18 = tpu.memref_slice %arg3[%add3A, %dma_wait3A_16, %dma_wait3A_17] : memref<32x110x110xf32, #tpu.memory_space<hbm>> -> memref<1x110x110xf32, #tpu.memory_space<hbm>>
      %dma_wait3A_19 = tpu.memref_squeeze %dma_wait3A_18 : memref<1x110x110xf32, #tpu.memory_space<hbm>> -> memref<110x110xf32, #tpu.memory_space<hbm>>
      tpu.wait_dma2 semaphore(%run_scoped3A : memref<!tpu.dma_semaphore, #tpu.memory_space<semaphore_mem>>) src(%arg5 : memref<110x110xf32, #tpu.memory_space<vmem>>) dst(%dma_wait3A_19 : memref<110x110xf32, #tpu.memory_space<hbm>>)
      tpu.yield
    }) : () -> ()
    return
  }
}

module attributes {stable_mosaic.version = 14 : i64} {
  func.func @_score_kernel(%arg0: i32, %arg1: memref<32xi32, #tpu.memory_space<smem>>, %arg2: memref<16x110x512xf32, #tpu.memory_space<vmem>>, %arg3: memref<512x512xf32, #tpu.memory_space<vmem>>, %arg4: memref<16x110x112xf32, #tpu.memory_space<vmem>>) attributes {dimension_semantics = [#tpu.dimension_semantics<arbitrary>], iteration_bounds = array<i64: 2>, scalar_prefetch = 1 : i64, scratch_operands = 0 : i64, tpu.core_type = #tpu.core_type<tc>, window_params = [{transform_indices = @transform_0, window_bounds = array<i64: 16, 110, 512>}, {pipeline_mode = #tpu.pipeline_mode<synchronous>, transform_indices = @transform_1, window_bounds = array<i64: 512, 512>}, {transform_indices = @transform_2, window_bounds = array<i64: 16, 110, 112>}]} {
    %get3A = arith.constant 0 : index
    %get3A_0 = arith.constant 0 : index
    %get3A_1 = arith.constant 0 : index
    %get3A_2 = vector.load %arg2[%get3A, %get3A_0, %get3A_1] : memref<16x110x512xf32, #tpu.memory_space<vmem>>, vector<16x110x512xf32>
    %get3A_3 = arith.constant 0 : index
    %get3A_4 = arith.constant 0 : index
    %get3A_5 = vector.load %arg3[%get3A_3, %get3A_4] : memref<512x512xf32, #tpu.memory_space<vmem>>, vector<512x512xf32>
    %convert_element_type3A = arith.truncf %get3A_2 : vector<16x110x512xf32> to vector<16x110x512xbf16>
    %convert_element_type3A_6 = arith.truncf %get3A_5 : vector<512x512xf32> to vector<512x512xbf16>
    %dot_general3A = arith.constant dense<0.000000e+00> : vector<16x110x512xf32>
    %dot_general3A_7 = tpu.matmul %convert_element_type3A, %convert_element_type3A_6, %dot_general3A {dimension_numbers = #tpu.dot_dimension_numbers<[2], [1], [0, 1], [0], [0, 0, 0, 1, 1, 0], [], []>, transpose_lhs_hint = false} : vector<16x110x512xbf16>, vector<512x512xbf16>, vector<16x110x512xf32> -> vector<16x110x512xf32>
    %convert_element_type3A_8 = arith.truncf %dot_general3A_7 : vector<16x110x512xf32> to vector<16x110x512xbf16>
    %dot_general3A_9 = arith.constant dense<0.000000e+00> : vector<16x110x110xf32>
    %dot_general3A_10 = tpu.matmul %convert_element_type3A, %convert_element_type3A_8, %dot_general3A_9 {dimension_numbers = #tpu.dot_dimension_numbers<[2], [2], [1], [1], [0, 0, 0, 1, 1, 1], [0], [0]>, transpose_lhs_hint = false} : vector<16x110x512xbf16>, vector<16x110x512xbf16>, vector<16x110x110xf32> -> vector<16x110x110xf32>
    %iota3A = tpu.iota {dimensions = array<i32: 0>} : vector<110x112xi32>
    %iota3A_11 = tpu.iota {dimensions = array<i32: 1>} : vector<110x112xi32>
    %sub3A = arith.constant 10 : i32
    %sub3A_12 = vector.broadcast %sub3A : i32 to vector<110x112xi32>
    %sub3A_13 = arith.subi %iota3A, %sub3A_12 : vector<110x112xi32>
    %ge3A = arith.cmpi sge, %iota3A_11, %sub3A_13 : vector<110x112xi32>
    %add3A = arith.constant 10 : i32
    %add3A_14 = vector.broadcast %add3A : i32 to vector<110x112xi32>
    %add3A_15 = arith.addi %iota3A, %add3A_14 : vector<110x112xi32>
    %le3A = arith.cmpi sle, %iota3A_11, %add3A_15 : vector<110x112xi32>
    %and3A = arith.andi %ge3A, %le3A : vector<110x112xi1>
    %max3A = arith.maxsi %iota3A, %iota3A_11 : vector<110x112xi32>
    %broadcast_in_dim3A = arith.constant -1.000000e+09 : f32
    %broadcast_in_dim3A_16 = vector.broadcast %broadcast_in_dim3A : f32 to vector<110x2xf32>
    %mul3A = arith.constant 16 : i32
    %mul3A_17 = arith.muli %arg0, %mul3A : i32
    %add3A_18 = arith.constant 0 : i32
    %add3A_19 = arith.addi %mul3A_17, %add3A_18 : i32
    %get3A_20 = arith.index_cast %add3A_19 : i32 to index
    %get3A_21 = memref.load %arg1[%get3A_20] : memref<32xi32, #tpu.memory_space<smem>>
    %sub3A_22 = arith.constant 1 : i32
    %sub3A_23 = arith.subi %get3A_21, %sub3A_22 : i32
    %le3A_24 = vector.broadcast %sub3A_23 : i32 to vector<110x112xi32>
    %le3A_25 = arith.cmpi sle, %max3A, %le3A_24 : vector<110x112xi32>
    %and3A_26 = arith.andi %and3A, %le3A_25 : vector<110x112xi1>
    %slice3A = vector.extract_strided_slice %dot_general3A_10 {offsets = [0, 0, 0], sizes = [1, 110, 110], strides = [1, 1, 1]} : vector<16x110x110xf32> to vector<1x110x110xf32>
    %squeeze3A = vector.shape_cast %slice3A : vector<1x110x110xf32> to vector<110x110xf32>
    %concatenate3A = tpu.concatenate %squeeze3A, %broadcast_in_dim3A_16 in 1 : vector<110x110xf32>, vector<110x2xf32> -> vector<110x112xf32>
    %jit3A = arith.constant -1.000000e+09 : f32
    %broadcast_in_dim3A_27 = vector.broadcast %jit3A : f32 to vector<110x112xf32>
    %select_n3A = arith.select %and3A_26, %concatenate3A, %broadcast_in_dim3A_27 : vector<110x112xi1>, vector<110x112xf32>
    %swap3A = arith.constant 0 : index
    %swap3A_28 = arith.constant 0 : index
    %swap3A_29 = arith.constant 0 : index
    %swap3A_30 = vector.load %arg4[%swap3A, %swap3A_28, %swap3A_29] : memref<16x110x112xf32, #tpu.memory_space<vmem>>, vector<1x110x112xf32>
    %swap3A_31 = vector.shape_cast %swap3A_30 : vector<1x110x112xf32> to vector<110x112xf32>
    %swap3A_32 = vector.shape_cast %select_n3A : vector<110x112xf32> to vector<1x110x112xf32>
    tpu.vector_store %arg4[%swap3A, %swap3A_28, %swap3A_29], %swap3A_32 {strides = array<i32>} : memref<16x110x112xf32, #tpu.memory_space<vmem>>, vector<1x110x112xf32>,
    %mul3A_33 = arith.constant 16 : i32
    %mul3A_34 = arith.muli %arg0, %mul3A_33 : i32
    %add3A_35 = arith.constant 1 : i32
    %add3A_36 = arith.addi %mul3A_34, %add3A_35 : i32
    %get3A_37 = arith.index_cast %add3A_36 : i32 to index
    %get3A_38 = memref.load %arg1[%get3A_37] : memref<32xi32, #tpu.memory_space<smem>>
    %sub3A_39 = arith.constant 1 : i32
    %sub3A_40 = arith.subi %get3A_38, %sub3A_39 : i32
    %le3A_41 = vector.broadcast %sub3A_40 : i32 to vector<110x112xi32>
    %le3A_42 = arith.cmpi sle, %max3A, %le3A_41 : vector<110x112xi32>
    %and3A_43 = arith.andi %and3A, %le3A_42 : vector<110x112xi1>
    %slice3A_44 = vector.extract_strided_slice %dot_general3A_10 {offsets = [1, 0, 0], sizes = [1, 110, 110], strides = [1, 1, 1]} : vector<16x110x110xf32> to vector<1x110x110xf32>
    %squeeze3A_45 = vector.shape_cast %slice3A_44 : vector<1x110x110xf32> to vector<110x110xf32>
    %concatenate3A_46 = tpu.concatenate %squeeze3A_45, %broadcast_in_dim3A_16 in 1 : vector<110x110xf32>, vector<110x2xf32> -> vector<110x112xf32>
    %jit3A_47 = arith.constant -1.000000e+09 : f32
    %broadcast_in_dim3A_48 = vector.broadcast %jit3A_47 : f32 to vector<110x112xf32>
    %select_n3A_49 = arith.select %and3A_43, %concatenate3A_46, %broadcast_in_dim3A_48 : vector<110x112xi1>, vector<110x112xf32>
    %swap3A_50 = arith.constant 1 : index
    %swap3A_51 = arith.constant 0 : index
    %swap3A_52 = arith.constant 0 : index
    %swap3A_53 = vector.load %arg4[%swap3A_50, %swap3A_51, %swap3A_52] : memref<16x110x112xf32, #tpu.memory_space<vmem>>, vector<1x110x112xf32>
    %swap3A_54 = vector.shape_cast %swap3A_53 : vector<1x110x112xf32> to vector<110x112xf32>
    %swap3A_55 = vector.shape_cast %select_n3A_49 : vector<110x112xf32> to vector<1x110x112xf32>
    tpu.vector_store %arg4[%swap3A_50, %swap3A_51, %swap3A_52], %swap3A_55 {strides = array<i32>} : memref<16x110x112xf32, #tpu.memory_space<vmem>>, vector<1x110x112xf32>,
    %mul3A_56 = arith.constant 16 : i32
    %mul3A_57 = arith.muli %arg0, %mul3A_56 : i32
    %add3A_58 = arith.constant 2 : i32
    %add3A_59 = arith.addi %mul3A_57, %add3A_58 : i32
    %get3A_60 = arith.index_cast %add3A_59 : i32 to index
    %get3A_61 = memref.load %arg1[%get3A_60] : memref<32xi32, #tpu.memory_space<smem>>
    %sub3A_62 = arith.constant 1 : i32
    %sub3A_63 = arith.subi %get3A_61, %sub3A_62 : i32
    %le3A_64 = vector.broadcast %sub3A_63 : i32 to vector<110x112xi32>
    %le3A_65 = arith.cmpi sle, %max3A, %le3A_64 : vector<110x112xi32>
    %and3A_66 = arith.andi %and3A, %le3A_65 : vector<110x112xi1>
    %slice3A_67 = vector.extract_strided_slice %dot_general3A_10 {offsets = [2, 0, 0], sizes = [1, 110, 110], strides = [1, 1, 1]} : vector<16x110x110xf32> to vector<1x110x110xf32>
    %squeeze3A_68 = vector.shape_cast %slice3A_67 : vector<1x110x110xf32> to vector<110x110xf32>
    %concatenate3A_69 = tpu.concatenate %squeeze3A_68, %broadcast_in_dim3A_16 in 1 : vector<110x110xf32>, vector<110x2xf32> -> vector<110x112xf32>
    %jit3A_70 = arith.constant -1.000000e+09 : f32
    %broadcast_in_dim3A_71 = vector.broadcast %jit3A_70 : f32 to vector<110x112xf32>
    %select_n3A_72 = arith.select %and3A_66, %concatenate3A_69, %broadcast_in_dim3A_71 : vector<110x112xi1>, vector<110x112xf32>
    %swap3A_73 = arith.constant 2 : index
    %swap3A_74 = arith.constant 0 : index
    %swap3A_75 = arith.constant 0 : index
    %swap3A_76 = vector.load %arg4[%swap3A_73, %swap3A_74, %swap3A_75] : memref<16x110x112xf32, #tpu.memory_space<vmem>>, vector<1x110x112xf32>
    %swap3A_77 = vector.shape_cast %swap3A_76 : vector<1x110x112xf32> to vector<110x112xf32>
    %swap3A_78 = vector.shape_cast %select_n3A_72 : vector<110x112xf32> to vector<1x110x112xf32>
    tpu.vector_store %arg4[%swap3A_73, %swap3A_74, %swap3A_75], %swap3A_78 {strides = array<i32>} : memref<16x110x112xf32, #tpu.memory_space<vmem>>, vector<1x110x112xf32>,
    %mul3A_79 = arith.constant 16 : i32
    %mul3A_80 = arith.muli %arg0, %mul3A_79 : i32
    %add3A_81 = arith.constant 3 : i32
    %add3A_82 = arith.addi %mul3A_80, %add3A_81 : i32
    %get3A_83 = arith.index_cast %add3A_82 : i32 to index
    %get3A_84 = memref.load %arg1[%get3A_83] : memref<32xi32, #tpu.memory_space<smem>>
    %sub3A_85 = arith.constant 1 : i32
    %sub3A_86 = arith.subi %get3A_84, %sub3A_85 : i32
    %le3A_87 = vector.broadcast %sub3A_86 : i32 to vector<110x112xi32>
    %le3A_88 = arith.cmpi sle, %max3A, %le3A_87 : vector<110x112xi32>
    %and3A_89 = arith.andi %and3A, %le3A_88 : vector<110x112xi1>
    %slice3A_90 = vector.extract_strided_slice %dot_general3A_10 {offsets = [3, 0, 0], sizes = [1, 110, 110], strides = [1, 1, 1]} : vector<16x110x110xf32> to vector<1x110x110xf32>
    %squeeze3A_91 = vector.shape_cast %slice3A_90 : vector<1x110x110xf32> to vector<110x110xf32>
    %concatenate3A_92 = tpu.concatenate %squeeze3A_91, %broadcast_in_dim3A_16 in 1 : vector<110x110xf32>, vector<110x2xf32> -> vector<110x112xf32>
    %jit3A_93 = arith.constant -1.000000e+09 : f32
    %broadcast_in_dim3A_94 = vector.broadcast %jit3A_93 : f32 to vector<110x112xf32>
    %select_n3A_95 = arith.select %and3A_89, %concatenate3A_92, %broadcast_in_dim3A_94 : vector<110x112xi1>, vector<110x112xf32>
    %swap3A_96 = arith.constant 3 : index
    %swap3A_97 = arith.constant 0 : index
    %swap3A_98 = arith.constant 0 : index
    %swap3A_99 = vector.load %arg4[%swap3A_96, %swap3A_97, %swap3A_98] : memref<16x110x112xf32, #tpu.memory_space<vmem>>, vector<1x110x112xf32>
    %swap3A_100 = vector.shape_cast %swap3A_99 : vector<1x110x112xf32> to vector<110x112xf32>
    %swap3A_101 = vector.shape_cast %select_n3A_95 : vector<110x112xf32> to vector<1x110x112xf32>
    tpu.vector_store %arg4[%swap3A_96, %swap3A_97, %swap3A_98], %swap3A_101 {strides = array<i32>} : memref<16x110x112xf32, #tpu.memory_space<vmem>>, vector<1x110x112xf32>,
    %mul3A_102 = arith.constant 16 : i32
    %mul3A_103 = arith.muli %arg0, %mul3A_102 : i32
    %add3A_104 = arith.constant 4 : i32
    %add3A_105 = arith.addi %mul3A_103, %add3A_104 : i32
    %get3A_106 = arith.index_cast %add3A_105 : i32 to index
    %get3A_107 = memref.load %arg1[%get3A_106] : memref<32xi32, #tpu.memory_space<smem>>
    %sub3A_108 = arith.constant 1 : i32
    %sub3A_109 = arith.subi %get3A_107, %sub3A_108 : i32
    %le3A_110 = vector.broadcast %sub3A_109 : i32 to vector<110x112xi32>
    %le3A_111 = arith.cmpi sle, %max3A, %le3A_110 : vector<110x112xi32>
    %and3A_112 = arith.andi %and3A, %le3A_111 : vector<110x112xi1>
    %slice3A_113 = vector.extract_strided_slice %dot_general3A_10 {offsets = [4, 0, 0], sizes = [1, 110, 110], strides = [1, 1, 1]} : vector<16x110x110xf32> to vector<1x110x110xf32>
    %squeeze3A_114 = vector.shape_cast %slice3A_113 : vector<1x110x110xf32> to vector<110x110xf32>
    %concatenate3A_115 = tpu.concatenate %squeeze3A_114, %broadcast_in_dim3A_16 in 1 : vector<110x110xf32>, vector<110x2xf32> -> vector<110x112xf32>
    %jit3A_116 = arith.constant -1.000000e+09 : f32
    %broadcast_in_dim3A_117 = vector.broadcast %jit3A_116 : f32 to vector<110x112xf32>
    %select_n3A_118 = arith.select %and3A_112, %concatenate3A_115, %broadcast_in_dim3A_117 : vector<110x112xi1>, vector<110x112xf32>
    %swap3A_119 = arith.constant 4 : index
    %swap3A_120 = arith.constant 0 : index
    %swap3A_121 = arith.constant 0 : index
    %swap3A_122 = vector.load %arg4[%swap3A_119, %swap3A_120, %swap3A_121] : memref<16x110x112xf32, #tpu.memory_space<vmem>>, vector<1x110x112xf32>
    %swap3A_123 = vector.shape_cast %swap3A_122 : vector<1x110x112xf32> to vector<110x112xf32>
    %swap3A_124 = vector.shape_cast %select_n3A_118 : vector<110x112xf32> to vector<1x110x112xf32>
    tpu.vector_store %arg4[%swap3A_119, %swap3A_120, %swap3A_121], %swap3A_124 {strides = array<i32>} : memref<16x110x112xf32, #tpu.memory_space<vmem>>, vector<1x110x112xf32>,
    %mul3A_125 = arith.constant 16 : i32
    %mul3A_126 = arith.muli %arg0, %mul3A_125 : i32
    %add3A_127 = arith.constant 5 : i32
    %add3A_128 = arith.addi %mul3A_126, %add3A_127 : i32
    %get3A_129 = arith.index_cast %add3A_128 : i32 to index
    %get3A_130 = memref.load %arg1[%get3A_129] : memref<32xi32, #tpu.memory_space<smem>>
    %sub3A_131 = arith.constant 1 : i32
    %sub3A_132 = arith.subi %get3A_130, %sub3A_131 : i32
    %le3A_133 = vector.broadcast %sub3A_132 : i32 to vector<110x112xi32>
    %le3A_134 = arith.cmpi sle, %max3A, %le3A_133 : vector<110x112xi32>
    %and3A_135 = arith.andi %and3A, %le3A_134 : vector<110x112xi1>
    %slice3A_136 = vector.extract_strided_slice %dot_general3A_10 {offsets = [5, 0, 0], sizes = [1, 110, 110], strides = [1, 1, 1]} : vector<16x110x110xf32> to vector<1x110x110xf32>
    %squeeze3A_137 = vector.shape_cast %slice3A_136 : vector<1x110x110xf32> to vector<110x110xf32>
    %concatenate3A_138 = tpu.concatenate %squeeze3A_137, %broadcast_in_dim3A_16 in 1 : vector<110x110xf32>, vector<110x2xf32> -> vector<110x112xf32>
    %jit3A_139 = arith.constant -1.000000e+09 : f32
    %broadcast_in_dim3A_140 = vector.broadcast %jit3A_139 : f32 to vector<110x112xf32>
    %select_n3A_141 = arith.select %and3A_135, %concatenate3A_138, %broadcast_in_dim3A_140 : vector<110x112xi1>, vector<110x112xf32>
    %swap3A_142 = arith.constant 5 : index
    %swap3A_143 = arith.constant 0 : index
    %swap3A_144 = arith.constant 0 : index
    %swap3A_145 = vector.load %arg4[%swap3A_142, %swap3A_143, %swap3A_144] : memref<16x110x112xf32, #tpu.memory_space<vmem>>, vector<1x110x112xf32>
    %swap3A_146 = vector.shape_cast %swap3A_145 : vector<1x110x112xf32> to vector<110x112xf32>
    %swap3A_147 = vector.shape_cast %select_n3A_141 : vector<110x112xf32> to vector<1x110x112xf32>
    tpu.vector_store %arg4[%swap3A_142, %swap3A_143, %swap3A_144], %swap3A_147 {strides = array<i32>} : memref<16x110x112xf32, #tpu.memory_space<vmem>>, vector<1x110x112xf32>,
    %mul3A_148 = arith.constant 16 : i32
    %mul3A_149 = arith.muli %arg0, %mul3A_148 : i32
    %add3A_150 = arith.constant 6 : i32
    %add3A_151 = arith.addi %mul3A_149, %add3A_150 : i32
    %get3A_152 = arith.index_cast %add3A_151 : i32 to index
    %get3A_153 = memref.load %arg1[%get3A_152] : memref<32xi32, #tpu.memory_space<smem>>
    %sub3A_154 = arith.constant 1 : i32
    %sub3A_155 = arith.subi %get3A_153, %sub3A_154 : i32
    %le3A_156 = vector.broadcast %sub3A_155 : i32 to vector<110x112xi32>
    %le3A_157 = arith.cmpi sle, %max3A, %le3A_156 : vector<110x112xi32>
    %and3A_158 = arith.andi %and3A, %le3A_157 : vector<110x112xi1>
    %slice3A_159 = vector.extract_strided_slice %dot_general3A_10 {offsets = [6, 0, 0], sizes = [1, 110, 110], strides = [1, 1, 1]} : vector<16x110x110xf32> to vector<1x110x110xf32>
    %squeeze3A_160 = vector.shape_cast %slice3A_159 : vector<1x110x110xf32> to vector<110x110xf32>
    %concatenate3A_161 = tpu.concatenate %squeeze3A_160, %broadcast_in_dim3A_16 in 1 : vector<110x110xf32>, vector<110x2xf32> -> vector<110x112xf32>
    %jit3A_162 = arith.constant -1.000000e+09 : f32
    %broadcast_in_dim3A_163 = vector.broadcast %jit3A_162 : f32 to vector<110x112xf32>
    %select_n3A_164 = arith.select %and3A_158, %concatenate3A_161, %broadcast_in_dim3A_163 : vector<110x112xi1>, vector<110x112xf32>
    %swap3A_165 = arith.constant 6 : index
    %swap3A_166 = arith.constant 0 : index
    %swap3A_167 = arith.constant 0 : index
    %swap3A_168 = vector.load %arg4[%swap3A_165, %swap3A_166, %swap3A_167] : memref<16x110x112xf32, #tpu.memory_space<vmem>>, vector<1x110x112xf32>
    %swap3A_169 = vector.shape_cast %swap3A_168 : vector<1x110x112xf32> to vector<110x112xf32>
    %swap3A_170 = vector.shape_cast %select_n3A_164 : vector<110x112xf32> to vector<1x110x112xf32>
    tpu.vector_store %arg4[%swap3A_165, %swap3A_166, %swap3A_167], %swap3A_170 {strides = array<i32>} : memref<16x110x112xf32, #tpu.memory_space<vmem>>, vector<1x110x112xf32>,
    %mul3A_171 = arith.constant 16 : i32
    %mul3A_172 = arith.muli %arg0, %mul3A_171 : i32
    %add3A_173 = arith.constant 7 : i32
    %add3A_174 = arith.addi %mul3A_172, %add3A_173 : i32
    %get3A_175 = arith.index_cast %add3A_174 : i32 to index
    %get3A_176 = memref.load %arg1[%get3A_175] : memref<32xi32, #tpu.memory_space<smem>>
    %sub3A_177 = arith.constant 1 : i32
    %sub3A_178 = arith.subi %get3A_176, %sub3A_177 : i32
    %le3A_179 = vector.broadcast %sub3A_178 : i32 to vector<110x112xi32>
    %le3A_180 = arith.cmpi sle, %max3A, %le3A_179 : vector<110x112xi32>
    %and3A_181 = arith.andi %and3A, %le3A_180 : vector<110x112xi1>
    %slice3A_182 = vector.extract_strided_slice %dot_general3A_10 {offsets = [7, 0, 0], sizes = [1, 110, 110], strides = [1, 1, 1]} : vector<16x110x110xf32> to vector<1x110x110xf32>
    %squeeze3A_183 = vector.shape_cast %slice3A_182 : vector<1x110x110xf32> to vector<110x110xf32>
    %concatenate3A_184 = tpu.concatenate %squeeze3A_183, %broadcast_in_dim3A_16 in 1 : vector<110x110xf32>, vector<110x2xf32> -> vector<110x112xf32>
    %jit3A_185 = arith.constant -1.000000e+09 : f32
    %broadcast_in_dim3A_186 = vector.broadcast %jit3A_185 : f32 to vector<110x112xf32>
    %select_n3A_187 = arith.select %and3A_181, %concatenate3A_184, %broadcast_in_dim3A_186 : vector<110x112xi1>, vector<110x112xf32>
    %swap3A_188 = arith.constant 7 : index
    %swap3A_189 = arith.constant 0 : index
    %swap3A_190 = arith.constant 0 : index
    %swap3A_191 = vector.load %arg4[%swap3A_188, %swap3A_189, %swap3A_190] : memref<16x110x112xf32, #tpu.memory_space<vmem>>, vector<1x110x112xf32>
    %swap3A_192 = vector.shape_cast %swap3A_191 : vector<1x110x112xf32> to vector<110x112xf32>
    %swap3A_193 = vector.shape_cast %select_n3A_187 : vector<110x112xf32> to vector<1x110x112xf32>
    tpu.vector_store %arg4[%swap3A_188, %swap3A_189, %swap3A_190], %swap3A_193 {strides = array<i32>} : memref<16x110x112xf32, #tpu.memory_space<vmem>>, vector<1x110x112xf32>,
    %mul3A_194 = arith.constant 16 : i32
    %mul3A_195 = arith.muli %arg0, %mul3A_194 : i32
    %add3A_196 = arith.constant 8 : i32
    %add3A_197 = arith.addi %mul3A_195, %add3A_196 : i32
    %get3A_198 = arith.index_cast %add3A_197 : i32 to index
    %get3A_199 = memref.load %arg1[%get3A_198] : memref<32xi32, #tpu.memory_space<smem>>
    %sub3A_200 = arith.constant 1 : i32
    %sub3A_201 = arith.subi %get3A_199, %sub3A_200 : i32
    %le3A_202 = vector.broadcast %sub3A_201 : i32 to vector<110x112xi32>
    %le3A_203 = arith.cmpi sle, %max3A, %le3A_202 : vector<110x112xi32>
    %and3A_204 = arith.andi %and3A, %le3A_203 : vector<110x112xi1>
    %slice3A_205 = vector.extract_strided_slice %dot_general3A_10 {offsets = [8, 0, 0], sizes = [1, 110, 110], strides = [1, 1, 1]} : vector<16x110x110xf32> to vector<1x110x110xf32>
    %squeeze3A_206 = vector.shape_cast %slice3A_205 : vector<1x110x110xf32> to vector<110x110xf32>
    %concatenate3A_207 = tpu.concatenate %squeeze3A_206, %broadcast_in_dim3A_16 in 1 : vector<110x110xf32>, vector<110x2xf32> -> vector<110x112xf32>
    %jit3A_208 = arith.constant -1.000000e+09 : f32
    %broadcast_in_dim3A_209 = vector.broadcast %jit3A_208 : f32 to vector<110x112xf32>
    %select_n3A_210 = arith.select %and3A_204, %concatenate3A_207, %broadcast_in_dim3A_209 : vector<110x112xi1>, vector<110x112xf32>
    %swap3A_211 = arith.constant 8 : index
    %swap3A_212 = arith.constant 0 : index
    %swap3A_213 = arith.constant 0 : index
    %swap3A_214 = vector.load %arg4[%swap3A_211, %swap3A_212, %swap3A_213] : memref<16x110x112xf32, #tpu.memory_space<vmem>>, vector<1x110x112xf32>
    %swap3A_215 = vector.shape_cast %swap3A_214 : vector<1x110x112xf32> to vector<110x112xf32>
    %swap3A_216 = vector.shape_cast %select_n3A_210 : vector<110x112xf32> to vector<1x110x112xf32>
    tpu.vector_store %arg4[%swap3A_211, %swap3A_212, %swap3A_213], %swap3A_216 {strides = array<i32>} : memref<16x110x112xf32, #tpu.memory_space<vmem>>, vector<1x110x112xf32>,
    %mul3A_217 = arith.constant 16 : i32
    %mul3A_218 = arith.muli %arg0, %mul3A_217 : i32
    %add3A_219 = arith.constant 9 : i32
    %add3A_220 = arith.addi %mul3A_218, %add3A_219 : i32
    %get3A_221 = arith.index_cast %add3A_220 : i32 to index
    %get3A_222 = memref.load %arg1[%get3A_221] : memref<32xi32, #tpu.memory_space<smem>>
    %sub3A_223 = arith.constant 1 : i32
    %sub3A_224 = arith.subi %get3A_222, %sub3A_223 : i32
    %le3A_225 = vector.broadcast %sub3A_224 : i32 to vector<110x112xi32>
    %le3A_226 = arith.cmpi sle, %max3A, %le3A_225 : vector<110x112xi32>
    %and3A_227 = arith.andi %and3A, %le3A_226 : vector<110x112xi1>
    %slice3A_228 = vector.extract_strided_slice %dot_general3A_10 {offsets = [9, 0, 0], sizes = [1, 110, 110], strides = [1, 1, 1]} : vector<16x110x110xf32> to vector<1x110x110xf32>
    %squeeze3A_229 = vector.shape_cast %slice3A_228 : vector<1x110x110xf32> to vector<110x110xf32>
    %concatenate3A_230 = tpu.concatenate %squeeze3A_229, %broadcast_in_dim3A_16 in 1 : vector<110x110xf32>, vector<110x2xf32> -> vector<110x112xf32>
    %jit3A_231 = arith.constant -1.000000e+09 : f32
    %broadcast_in_dim3A_232 = vector.broadcast %jit3A_231 : f32 to vector<110x112xf32>
    %select_n3A_233 = arith.select %and3A_227, %concatenate3A_230, %broadcast_in_dim3A_232 : vector<110x112xi1>, vector<110x112xf32>
    %swap3A_234 = arith.constant 9 : index
    %swap3A_235 = arith.constant 0 : index
    %swap3A_236 = arith.constant 0 : index
    %swap3A_237 = vector.load %arg4[%swap3A_234, %swap3A_235, %swap3A_236] : memref<16x110x112xf32, #tpu.memory_space<vmem>>, vector<1x110x112xf32>
    %swap3A_238 = vector.shape_cast %swap3A_237 : vector<1x110x112xf32> to vector<110x112xf32>
    %swap3A_239 = vector.shape_cast %select_n3A_233 : vector<110x112xf32> to vector<1x110x112xf32>
    tpu.vector_store %arg4[%swap3A_234, %swap3A_235, %swap3A_236], %swap3A_239 {strides = array<i32>} : memref<16x110x112xf32, #tpu.memory_space<vmem>>, vector<1x110x112xf32>,
    %mul3A_240 = arith.constant 16 : i32
    %mul3A_241 = arith.muli %arg0, %mul3A_240 : i32
    %add3A_242 = arith.constant 10 : i32
    %add3A_243 = arith.addi %mul3A_241, %add3A_242 : i32
    %get3A_244 = arith.index_cast %add3A_243 : i32 to index
    %get3A_245 = memref.load %arg1[%get3A_244] : memref<32xi32, #tpu.memory_space<smem>>
    %sub3A_246 = arith.constant 1 : i32
    %sub3A_247 = arith.subi %get3A_245, %sub3A_246 : i32
    %le3A_248 = vector.broadcast %sub3A_247 : i32 to vector<110x112xi32>
    %le3A_249 = arith.cmpi sle, %max3A, %le3A_248 : vector<110x112xi32>
    %and3A_250 = arith.andi %and3A, %le3A_249 : vector<110x112xi1>
    %slice3A_251 = vector.extract_strided_slice %dot_general3A_10 {offsets = [10, 0, 0], sizes = [1, 110, 110], strides = [1, 1, 1]} : vector<16x110x110xf32> to vector<1x110x110xf32>
    %squeeze3A_252 = vector.shape_cast %slice3A_251 : vector<1x110x110xf32> to vector<110x110xf32>
    %concatenate3A_253 = tpu.concatenate %squeeze3A_252, %broadcast_in_dim3A_16 in 1 : vector<110x110xf32>, vector<110x2xf32> -> vector<110x112xf32>
    %jit3A_254 = arith.constant -1.000000e+09 : f32
    %broadcast_in_dim3A_255 = vector.broadcast %jit3A_254 : f32 to vector<110x112xf32>
    %select_n3A_256 = arith.select %and3A_250, %concatenate3A_253, %broadcast_in_dim3A_255 : vector<110x112xi1>, vector<110x112xf32>
    %swap3A_257 = arith.constant 10 : index
    %swap3A_258 = arith.constant 0 : index
    %swap3A_259 = arith.constant 0 : index
    %swap3A_260 = vector.load %arg4[%swap3A_257, %swap3A_258, %swap3A_259] : memref<16x110x112xf32, #tpu.memory_space<vmem>>, vector<1x110x112xf32>
    %swap3A_261 = vector.shape_cast %swap3A_260 : vector<1x110x112xf32> to vector<110x112xf32>
    %swap3A_262 = vector.shape_cast %select_n3A_256 : vector<110x112xf32> to vector<1x110x112xf32>
    tpu.vector_store %arg4[%swap3A_257, %swap3A_258, %swap3A_259], %swap3A_262 {strides = array<i32>} : memref<16x110x112xf32, #tpu.memory_space<vmem>>, vector<1x110x112xf32>,
    %mul3A_263 = arith.constant 16 : i32
    %mul3A_264 = arith.muli %arg0, %mul3A_263 : i32
    %add3A_265 = arith.constant 11 : i32
    %add3A_266 = arith.addi %mul3A_264, %add3A_265 : i32
    %get3A_267 = arith.index_cast %add3A_266 : i32 to index
    %get3A_268 = memref.load %arg1[%get3A_267] : memref<32xi32, #tpu.memory_space<smem>>
    %sub3A_269 = arith.constant 1 : i32
    %sub3A_270 = arith.subi %get3A_268, %sub3A_269 : i32
    %le3A_271 = vector.broadcast %sub3A_270 : i32 to vector<110x112xi32>
    %le3A_272 = arith.cmpi sle, %max3A, %le3A_271 : vector<110x112xi32>
    %and3A_273 = arith.andi %and3A, %le3A_272 : vector<110x112xi1>
    %slice3A_274 = vector.extract_strided_slice %dot_general3A_10 {offsets = [11, 0, 0], sizes = [1, 110, 110], strides = [1, 1, 1]} : vector<16x110x110xf32> to vector<1x110x110xf32>
    %squeeze3A_275 = vector.shape_cast %slice3A_274 : vector<1x110x110xf32> to vector<110x110xf32>
    %concatenate3A_276 = tpu.concatenate %squeeze3A_275, %broadcast_in_dim3A_16 in 1 : vector<110x110xf32>, vector<110x2xf32> -> vector<110x112xf32>
    %jit3A_277 = arith.constant -1.000000e+09 : f32
    %broadcast_in_dim3A_278 = vector.broadcast %jit3A_277 : f32 to vector<110x112xf32>
    %select_n3A_279 = arith.select %and3A_273, %concatenate3A_276, %broadcast_in_dim3A_278 : vector<110x112xi1>, vector<110x112xf32>
    %swap3A_280 = arith.constant 11 : index
    %swap3A_281 = arith.constant 0 : index
    %swap3A_282 = arith.constant 0 : index
    %swap3A_283 = vector.load %arg4[%swap3A_280, %swap3A_281, %swap3A_282] : memref<16x110x112xf32, #tpu.memory_space<vmem>>, vector<1x110x112xf32>
    %swap3A_284 = vector.shape_cast %swap3A_283 : vector<1x110x112xf32> to vector<110x112xf32>
    %swap3A_285 = vector.shape_cast %select_n3A_279 : vector<110x112xf32> to vector<1x110x112xf32>
    tpu.vector_store %arg4[%swap3A_280, %swap3A_281, %swap3A_282], %swap3A_285 {strides = array<i32>} : memref<16x110x112xf32, #tpu.memory_space<vmem>>, vector<1x110x112xf32>,
    %mul3A_286 = arith.constant 16 : i32
    %mul3A_287 = arith.muli %arg0, %mul3A_286 : i32
    %add3A_288 = arith.constant 12 : i32
    %add3A_289 = arith.addi %mul3A_287, %add3A_288 : i32
    %get3A_290 = arith.index_cast %add3A_289 : i32 to index
    %get3A_291 = memref.load %arg1[%get3A_290] : memref<32xi32, #tpu.memory_space<smem>>
    %sub3A_292 = arith.constant 1 : i32
    %sub3A_293 = arith.subi %get3A_291, %sub3A_292 : i32
    %le3A_294 = vector.broadcast %sub3A_293 : i32 to vector<110x112xi32>
    %le3A_295 = arith.cmpi sle, %max3A, %le3A_294 : vector<110x112xi32>
    %and3A_296 = arith.andi %and3A, %le3A_295 : vector<110x112xi1>
    %slice3A_297 = vector.extract_strided_slice %dot_general3A_10 {offsets = [12, 0, 0], sizes = [1, 110, 110], strides = [1, 1, 1]} : vector<16x110x110xf32> to vector<1x110x110xf32>
    %squeeze3A_298 = vector.shape_cast %slice3A_297 : vector<1x110x110xf32> to vector<110x110xf32>
    %concatenate3A_299 = tpu.concatenate %squeeze3A_298, %broadcast_in_dim3A_16 in 1 : vector<110x110xf32>, vector<110x2xf32> -> vector<110x112xf32>
    %jit3A_300 = arith.constant -1.000000e+09 : f32
    %broadcast_in_dim3A_301 = vector.broadcast %jit3A_300 : f32 to vector<110x112xf32>
    %select_n3A_302 = arith.select %and3A_296, %concatenate3A_299, %broadcast_in_dim3A_301 : vector<110x112xi1>, vector<110x112xf32>
    %swap3A_303 = arith.constant 12 : index
    %swap3A_304 = arith.constant 0 : index
    %swap3A_305 = arith.constant 0 : index
    %swap3A_306 = vector.load %arg4[%swap3A_303, %swap3A_304, %swap3A_305] : memref<16x110x112xf32, #tpu.memory_space<vmem>>, vector<1x110x112xf32>
    %swap3A_307 = vector.shape_cast %swap3A_306 : vector<1x110x112xf32> to vector<110x112xf32>
    %swap3A_308 = vector.shape_cast %select_n3A_302 : vector<110x112xf32> to vector<1x110x112xf32>
    tpu.vector_store %arg4[%swap3A_303, %swap3A_304, %swap3A_305], %swap3A_308 {strides = array<i32>} : memref<16x110x112xf32, #tpu.memory_space<vmem>>, vector<1x110x112xf32>,
    %mul3A_309 = arith.constant 16 : i32
    %mul3A_310 = arith.muli %arg0, %mul3A_309 : i32
    %add3A_311 = arith.constant 13 : i32
    %add3A_312 = arith.addi %mul3A_310, %add3A_311 : i32
    %get3A_313 = arith.index_cast %add3A_312 : i32 to index
    %get3A_314 = memref.load %arg1[%get3A_313] : memref<32xi32, #tpu.memory_space<smem>>
    %sub3A_315 = arith.constant 1 : i32
    %sub3A_316 = arith.subi %get3A_314, %sub3A_315 : i32
    %le3A_317 = vector.broadcast %sub3A_316 : i32 to vector<110x112xi32>
    %le3A_318 = arith.cmpi sle, %max3A, %le3A_317 : vector<110x112xi32>
    %and3A_319 = arith.andi %and3A, %le3A_318 : vector<110x112xi1>
    %slice3A_320 = vector.extract_strided_slice %dot_general3A_10 {offsets = [13, 0, 0], sizes = [1, 110, 110], strides = [1, 1, 1]} : vector<16x110x110xf32> to vector<1x110x110xf32>
    %squeeze3A_321 = vector.shape_cast %slice3A_320 : vector<1x110x110xf32> to vector<110x110xf32>
    %concatenate3A_322 = tpu.concatenate %squeeze3A_321, %broadcast_in_dim3A_16 in 1 : vector<110x110xf32>, vector<110x2xf32> -> vector<110x112xf32>
    %jit3A_323 = arith.constant -1.000000e+09 : f32
    %broadcast_in_dim3A_324 = vector.broadcast %jit3A_323 : f32 to vector<110x112xf32>
    %select_n3A_325 = arith.select %and3A_319, %concatenate3A_322, %broadcast_in_dim3A_324 : vector<110x112xi1>, vector<110x112xf32>
    %swap3A_326 = arith.constant 13 : index
    %swap3A_327 = arith.constant 0 : index
    %swap3A_328 = arith.constant 0 : index
    %swap3A_329 = vector.load %arg4[%swap3A_326, %swap3A_327, %swap3A_328] : memref<16x110x112xf32, #tpu.memory_space<vmem>>, vector<1x110x112xf32>
    %swap3A_330 = vector.shape_cast %swap3A_329 : vector<1x110x112xf32> to vector<110x112xf32>
    %swap3A_331 = vector.shape_cast %select_n3A_325 : vector<110x112xf32> to vector<1x110x112xf32>
    tpu.vector_store %arg4[%swap3A_326, %swap3A_327, %swap3A_328], %swap3A_331 {strides = array<i32>} : memref<16x110x112xf32, #tpu.memory_space<vmem>>, vector<1x110x112xf32>,
    %mul3A_332 = arith.constant 16 : i32
    %mul3A_333 = arith.muli %arg0, %mul3A_332 : i32
    %add3A_334 = arith.constant 14 : i32
    %add3A_335 = arith.addi %mul3A_333, %add3A_334 : i32
    %get3A_336 = arith.index_cast %add3A_335 : i32 to index
    %get3A_337 = memref.load %arg1[%get3A_336] : memref<32xi32, #tpu.memory_space<smem>>
    %sub3A_338 = arith.constant 1 : i32
    %sub3A_339 = arith.subi %get3A_337, %sub3A_338 : i32
    %le3A_340 = vector.broadcast %sub3A_339 : i32 to vector<110x112xi32>
    %le3A_341 = arith.cmpi sle, %max3A, %le3A_340 : vector<110x112xi32>
    %and3A_342 = arith.andi %and3A, %le3A_341 : vector<110x112xi1>
    %slice3A_343 = vector.extract_strided_slice %dot_general3A_10 {offsets = [14, 0, 0], sizes = [1, 110, 110], strides = [1, 1, 1]} : vector<16x110x110xf32> to vector<1x110x110xf32>
    %squeeze3A_344 = vector.shape_cast %slice3A_343 : vector<1x110x110xf32> to vector<110x110xf32>
    %concatenate3A_345 = tpu.concatenate %squeeze3A_344, %broadcast_in_dim3A_16 in 1 : vector<110x110xf32>, vector<110x2xf32> -> vector<110x112xf32>
    %jit3A_346 = arith.constant -1.000000e+09 : f32
    %broadcast_in_dim3A_347 = vector.broadcast %jit3A_346 : f32 to vector<110x112xf32>
    %select_n3A_348 = arith.select %and3A_342, %concatenate3A_345, %broadcast_in_dim3A_347 : vector<110x112xi1>, vector<110x112xf32>
    %swap3A_349 = arith.constant 14 : index
    %swap3A_350 = arith.constant 0 : index
    %swap3A_351 = arith.constant 0 : index
    %swap3A_352 = vector.load %arg4[%swap3A_349, %swap3A_350, %swap3A_351] : memref<16x110x112xf32, #tpu.memory_space<vmem>>, vector<1x110x112xf32>
    %swap3A_353 = vector.shape_cast %swap3A_352 : vector<1x110x112xf32> to vector<110x112xf32>
    %swap3A_354 = vector.shape_cast %select_n3A_348 : vector<110x112xf32> to vector<1x110x112xf32>
    tpu.vector_store %arg4[%swap3A_349, %swap3A_350, %swap3A_351], %swap3A_354 {strides = array<i32>} : memref<16x110x112xf32, #tpu.memory_space<vmem>>, vector<1x110x112xf32>,
    %mul3A_355 = arith.constant 16 : i32
    %mul3A_356 = arith.muli %arg0, %mul3A_355 : i32
    %add3A_357 = arith.constant 15 : i32
    %add3A_358 = arith.addi %mul3A_356, %add3A_357 : i32
    %get3A_359 = arith.index_cast %add3A_358 : i32 to index
    %get3A_360 = memref.load %arg1[%get3A_359] : memref<32xi32, #tpu.memory_space<smem>>
    %sub3A_361 = arith.constant 1 : i32
    %sub3A_362 = arith.subi %get3A_360, %sub3A_361 : i32
    %le3A_363 = vector.broadcast %sub3A_362 : i32 to vector<110x112xi32>
    %le3A_364 = arith.cmpi sle, %max3A, %le3A_363 : vector<110x112xi32>
    %and3A_365 = arith.andi %and3A, %le3A_364 : vector<110x112xi1>
    %slice3A_366 = vector.extract_strided_slice %dot_general3A_10 {offsets = [15, 0, 0], sizes = [1, 110, 110], strides = [1, 1, 1]} : vector<16x110x110xf32> to vector<1x110x110xf32>
    %squeeze3A_367 = vector.shape_cast %slice3A_366 : vector<1x110x110xf32> to vector<110x110xf32>
    %concatenate3A_368 = tpu.concatenate %squeeze3A_367, %broadcast_in_dim3A_16 in 1 : vector<110x110xf32>, vector<110x2xf32> -> vector<110x112xf32>
    %jit3A_369 = arith.constant -1.000000e+09 : f32
    %broadcast_in_dim3A_370 = vector.broadcast %jit3A_369 : f32 to vector<110x112xf32>
    %select_n3A_371 = arith.select %and3A_365, %concatenate3A_368, %broadcast_in_dim3A_370 : vector<110x112xi1>, vector<110x112xf32>
    %swap3A_372 = arith.constant 15 : index
    %swap3A_373 = arith.constant 0 : index
    %swap3A_374 = arith.constant 0 : index
    %swap3A_375 = vector.load %arg4[%swap3A_372, %swap3A_373, %swap3A_374] : memref<16x110x112xf32, #tpu.memory_space<vmem>>, vector<1x110x112xf32>
    %swap3A_376 = vector.shape_cast %swap3A_375 : vector<1x110x112xf32> to vector<110x112xf32>
    %swap3A_377 = vector.shape_cast %select_n3A_371 : vector<110x112xf32> to vector<1x110x112xf32>
    tpu.vector_store %arg4[%swap3A_372, %swap3A_373, %swap3A_374], %swap3A_377 {strides = array<i32>} : memref<16x110x112xf32, #tpu.memory_space<vmem>>, vector<1x110x112xf32>,
    return
  }
  func.func @transform_0(%arg0: i32, %arg1: memref<32xi32, #tpu.memory_space<smem>>) -> (i32, i32, i32) {
    %c0_i32 = arith.constant 0 : i32
    %c0_i32_0 = arith.constant 0 : i32
    %c0_i32_1 = arith.constant 0 : i32
    return %arg0, %c0_i32, %c0_i32_0 : i32, i32, i32
  }
  func.func @transform_1(%arg0: i32, %arg1: memref<32xi32, #tpu.memory_space<smem>>) -> (i32, i32) {
    %c0_i32 = arith.constant 0 : i32
    %c0_i32_0 = arith.constant 0 : i32
    %c0_i32_1 = arith.constant 0 : i32
    return %c0_i32, %c0_i32_0 : i32, i32
  }
  func.func @transform_2(%arg0: i32, %arg1: memref<32xi32, #tpu.memory_space<smem>>) -> (i32, i32, i32) {
    %c0_i32 = arith.constant 0 : i32
    %c0_i32_0 = arith.constant 0 : i32
    %c0_i32_1 = arith.constant 0 : i32
    return %arg0, %c0_i32, %c0_i32_0 : i32, i32, i32
  }
}

</mosaic_0001>

<sc_bundles>
// kernel: kernel.4.cloned.1.call-start
scs
__scs_entry_jumppad:
0x0: {  	(pc) =	sbr.rel $0x88, $3  }
0x1: {  	(tag) =	ssettag $0x0;
	lr =	simm.s32 $0x1  }
0x2: {  	[smem:$0x3F9E] =	sst lr;
	_ =	strace $0xD0000000  }
0x3: {  	_ = 	snop  }
0x4: {  	_ = 	snop  }
0x5: {  	_ = 	snop  }
0x6: {  	_ = 	snop  }
0x7: {  	_ = 	snop  }
__scs_overlays_trampoline_lowered:
0x8: {  	[smem:$0x3FAD] =	sst s0  }
0x9: {  	[smem:$0x3FAE] =	sst s1  }
0xa: {  	[smem:$0x3FAF] =	sst s2  }
0xb: {  	[smem:$0x3FB0] =	sst s3  }
0xc: {  	[smem:$0x3FB1] =	sst s4  }
0xd: {  	[smem:$0x3FB2] =	sst s5  }
0xe: {  	[smem:$0x3FB3] =	sst s6  }
0xf: {  	[smem:$0x3FB4] =	sst s7  }
0x10: {  	[smem:$0x3FB5] =	sst s8  }
0x11: {  	[smem:$0x3FB6] =	sst s9;
	s0 =	simm.s32 @!p0 $0x0  }
0x12: {  	s1 =	sld [smem:$0x3F9C];
	s0 =	simm.s32 @p0 $0x1  }
0x13: {  	[smem:$0x3FB7] =	sst s0;
	s0 =	simm.s32 @!p1 $0x0  }
0x14: {  	s2 =	sld [smem:$0x3F9B];
	s0 =	simm.s32 @p1 $0x1  }
0x15: {  	[smem:$0x3FB8] =	sst s0;
	s0 =	simm.s32 @!p2 $0x0  }
0x16: {  	s3 =	sld [smem:$0x3FDB];
	s0 =	simm.s32 @p2 $0x1  }
0x17: {  	s4 =	simm.s32 $0x1BF5;
	[smem:$0x3FBA] =	sst s0  }
0x18: {  	s0 =	sld [smem:$0x3F9D];
	_ =	swait.ge [sflag:s4], $0x0  }
0x19: {  	s7 =	sld [smem:$0x3F9E]  }
0x1a: {  	s8 =	sadd.s32 $0xFFFFE003, lr  }
0x1b: {  	s9 =	sadd.s32 $0xFFFFFEF7, lr;
	s5 =	simm.s32 $0xFFFFFFFF;
	p2 =	slt.u32 s8, $0xFFFFF086  }
0x1c: {  	p1 =	slt.u32 s9, $0xF7A;
	s5 =	simm.s32 @!p2 $0x0  }
0x1d: {  	s5 =	simm.s32 @p1 $0x1;
	p0 =	seq.s32 s7, s2  }
0x1e: {  	s7 =	smul.u32 @!p0 $0xF7A, s2;
	p2 =	seq.s32 @!p0 s5, $0x0  }
0x1f: {  	s9 =	smul.u32 $0xF7A, s1;
	s8 =	simm.s32 @!p0 $0x1BF5;
	p2 =	por !p2, p0  }
0x20: {  	[sflag:s8] =	ssyncset.s32 @!p0 $0xFFFFF086;
	s6 =	sadd.s32 @!p0 s3, s7;
	s7 =	simm.s32 @!p0 $0x108  }
0x21: {  	s3 =	sadd.s32 s3, s9;
	s6 =	sadd.s32 @!p0 $0x88, s6;
	s7 =	simm.s32 @p2 $0x1082  }
0x22: {  	[simem:s7], [sflag:s8] =	dma.local @!p0 [hbm:s6], $0xF7A  }
0x23: {  	s9 =	sor.u32 $0xD0000000, s2;
	s6 =	simm.s32 $0x108;
	_ =	swait.ge @!p0 [sflag:s8], $0x0  }
0x24: {  	s3 =	sadd.s32 $0x88, s3;
	s6 =	simm.s32 @!p1 $0x1082;
	[sflag:s4] =	ssyncset.s32 $0xFFFFF086  }
0x25: {  	[simem:s6], [sflag:s4] =	dma.local [hbm:s3], $0xF7A  }
0x26: {  	[smem:$0x3F9E] =	sst s1;
	(tag) =	ssettag s2;
	_ =	strace s9  }
0x27: {  	s1 =	sld [smem:$0x3FAE]  }
0x28: {  	s2 =	sld [smem:$0x3FAF]  }
0x29: {  	s4 =	sld [smem:$0x3FB1]  }
0x2a: {  	p0 =	seq.s32 s5, $0x0;
	s5 =	sld [smem:$0x3FB2]  }
0x2b: {  	s6 =	sld [smem:$0x3FB3]  }
0x2c: {  	s7 =	sld [smem:$0x3FB4]  }
0x2d: {  	s3 =	simm.s32 $0x108;
	s8 =	sld [smem:$0x3FB5]  }
0x2e: {  	s3 =	simm.s32 @!p0 $0x1082;
	s9 =	sld [smem:$0x3FB6]  }
0x2f: {  	lr =	sadd.s32 s0, s3;
	s0 =	sld [smem:$0x3FAD]  }
0x30: {  	s3 =	sld [smem:$0x3FB0]  }
0x31: {  	[smem:$0x3FB9] =	sst s10  }
0x32: {  	s10 =	sld [smem:$0x3FB7];
	_ =	sdelay $0x3  }
0x33: {  	p0 =	seq.s32 s10, $0x1;
	s10 =	sld [smem:$0x3FB9];
	_ =	sdelay $0x3  }
0x34: {  	[smem:$0x3FB9] =	sst s10  }
0x35: {  	s10 =	sld [smem:$0x3FB8];
	_ =	sdelay $0x3  }
0x36: {  	p1 =	seq.s32 s10, $0x1;
	s10 =	sld [smem:$0x3FB9];
	_ =	sdelay $0x3  }
0x37: {  	[smem:$0x3FB9] =	sst s10  }
0x38: {  	s10 =	sld [smem:$0x3FBA]  }
0x39: {  	_ = 	snop;
	(pc) =	sbr.ind lr, $3  }
0x3a: {  	_ = 	snop  }
0x3b: {  	_ = 	snop  }
0x3c: {  	p2 =	seq.s32 s10, $0x1;
	s10 =	sld [smem:$0x3FB9]  }
0x3d: {  	_ =	shalt  }
0x3e: {  	_ =	shalt  }
0x3f: {  	_ =	shalt  }
0x40: {  	_ =	shalt  }
0x41: {  	_ =	shalt  }
0x42: {  	_ =	shalt  }
0x43: {  	_ =	shalt  }
0x44: {  	_ =	shalt  }
0x45: {  	_ =	shalt  }
0x46: {  	_ =	shalt  }
0x47: {  	_ =	shalt  }
0x48: {  	_ =	shalt  }
0x49: {  	_ =	shalt  }
0x4a: {  	_ =	shalt  }
0x4b: {  	_ =	shalt  }
0x4c: {  	_ =	shalt  }
0x4d: {  	_ =	shalt  }
0x4e: {  	_ =	shalt  }
0x4f: {  	_ =	shalt  }
0x50: {  	_ =	shalt  }
0x51: {  	_ =	shalt  }
0x52: {  	_ =	shalt  }
0x53: {  	_ =	shalt  }
0x54: {  	_ =	shalt  }
0x55: {  	_ =	shalt  }
0x56: {  	_ =	shalt  }
0x57: {  	_ =	shalt  }
0x58: {  	_ =	shalt  }
0x59: {  	_ =	shalt  }
0x5a: {  	_ =	shalt  }
0x5b: {  	_ =	shalt  }
0x5c: {  	_ =	shalt  }
0x5d: {  	_ =	shalt  }
0x5e: {  	_ =	shalt  }
0x5f: {  	_ =	shalt  }
0x60: {  	_ =	shalt  }
0x61: {  	_ =	shalt  }
0x62: {  	_ =	shalt  }
0x63: {  	_ =	shalt  }
0x64: {  	_ =	shalt  }
0x65: {  	_ =	shalt  }
0x66: {  	_ =	shalt  }
0x67: {  	_ =	shalt  }
0x68: {  	_ =	shalt  }
0x69: {  	_ =	shalt  }
0x6a: {  	_ =	shalt  }
0x6b: {  	_ =	shalt  }
0x6c: {  	_ =	shalt  }
0x6d: {  	_ =	shalt  }
0x6e: {  	_ =	shalt  }
0x6f: {  	_ =	shalt  }
0x70: {  	_ =	shalt  }
0x71: {  	_ =	shalt  }
0x72: {  	_ =	shalt  }
0x73: {  	_ =	shalt  }
0x74: {  	_ =	shalt  }
0x75: {  	_ =	shalt  }
0x76: {  	_ =	shalt  }
0x77: {  	_ =	shalt  }
0x78: {  	_ =	shalt  }
0x79: {  	_ =	shalt  }
0x7a: {  	_ =	shalt  }
0x7b: {  	_ =	shalt  }
0x7c: {  	_ =	shalt  }
0x7d: {  	_ =	shalt  }
0x7e: {  	_ =	shalt  }
0x7f: {  	_ =	shalt  }
0x80: {  	_ =	shalt  }
0x81: {  	_ =	shalt  }
0x82: {  	_ =	shalt  }
0x83: {  	_ =	shalt  }
0x84: {  	_ =	shalt  }
0x85: {  	_ =	shalt  }
0x86: {  	_ =	shalt  }
0x87: {  	_ =	shalt  }
.Lfunc_end0:
.L_simem_size_0:
called_computation_lowered:
.L_overlay_start_0:
0x88: {  	s2 =	sld [smem:$0x3FD9]  }
0x89: {  	s3 =	sld [smem:$0x3FFE];
	_ =	sdelay $0x1  }
0x8a: {  	s1 =	srdreg.scid  }
0x8b: {  	s0 =	sand.u32 $0x1, s1  }
0x8c: {  	s16 =	sshll.u32 s0, $0xA;
	s2 =	sadd.s32 s3, s2  }
0x8d: {  	s2 =	sadd.s32 s2, s16  }
0x8e: {  	[smem:$0x3FC5] =	sst s2  }
0x8f: {  	_ = 	snop  }
0x90: {  	(tm) =	ssettm $0x1  }
0x91: {  	s17 =	sld [smem:$0x3FFB];
	_ =	sdelay $0x3  }
0x92: {  	_ =	strace s17  }
0x93: {  	s2 =	sld [smem:$0x3FFC];
	_ =	sdelay $0x3  }
0x94: {  	_ =	strace s2  }
0x95: {  	s2 =	sld [smem:$0x3FFD];
	_ =	sdelay $0x3  }
0x96: {  	_ =	strace s2  }
0x97: {  	_ =	strace $0x8FFFFFFF  }
0x98: {  	s18 =	sld [smem:$0x3FDB];
	_ =	sdelay $0x1  }
0x99: {  	s19 =	simm.s32 $_scs_section_size  }
0x9a: {  	s4 =	simm.s32 $_size__tile_overlayer_lowered;
	s5 =	simm.s32 $_tile_overlayer_lowered  }
0x9b: {  	s22 =	simm.s32 $0x1BFF;
	s21 =	sshll.u32 s5, $0x1;
	s2 =	sadd.s32 s19, s18  }
0x9c: {  	s6 =	simm.s32 $0x0;
	s20 =	sshll.u32 s4, $0x1;
	s4 =	sadd.s32 s21, s2  }
0x9d: {  	[timem:s6], [sflag:s22] =	dma.local [hbm:s4], s20  }
0x9e: {  	_ =	swait.ge [sflag:s22], s20  }
0x9f: {  	s3 =	ssub.s32 $0x0, s20;
	[sflag:s22] =	ssyncset.done $0x0  }
0xa0: {  	[sflag:s22] =	ssyncadd.s32 s3;
	_ =	sdelay $0x1  }
0xa1: {  	s23 =	simm.s32 $0x1B8B  }
0xa2: {  	_ =	swait.ge [sflag:s23], $0x1  }
0xa3: {  	[sflag:s23] =	ssyncset.done $0x0  }
0xa4: {  	s25 =	simm.s32 $0x1B8E;
	s24 =	sld [smem:$0x3FFE];
	[sflag:s23] =	ssyncadd.s32 $0xFFFFFFFF  }
0xa5: {  	s26 =	simm.s32 $execute0_lowered;
	[smem:$0x3FD2] =	sst s25  }
0xa6: {  	s4 =	sshll.u32 s26, $0x1;
	_ =	strace $0x80000046;
	[dreg:$0x1] =	wrdreg $0xFFFFFFFF  }
0xa7: {  	s28 =	simm.s32 $_size_execute0_lowered;
	s2 =	sadd.s32 s2, s4;
	[dreg:$0x0] =	wrdreg $0x0  }
0xa8: {  	s4 =	sshll.u32 s28, $0x1;
	[dreg:$0x2] =	wrdreg s2  }
0xa9: {  	[dreg:$0x3] =	wrdreg s4  }
0xaa: {  	[dreg:$0x4] =	wrdreg $0xC0  }
0xab: {  	_ =	task [dreg:s6], $0x5FFFF  }
0xac: {  	[dreg:$0x1] =	wrdreg $0xFFFFFFFF  }
0xad: {  	[dreg:$0x0] =	wrdreg $0x60  }
0xae: {  	[dreg:$0x2] =	wrdreg s24  }
0xaf: {  	[dreg:$0x3] =	wrdreg $0x9  }
0xb0: {  	_ =	task.clear_ibuf [dreg:s6], $0x4FFFF;
	_ =	strace $0x90000046  }
0xb1: {  	s29 =	simm.s32 $0x9;
	_ =	strace $0x80000048  }
0xb2: {  	_ =	swait.ge [sflag:s29], $0x1  }
0xb3: {  	[sflag:s29] =	ssyncadd.s32 $0xFFFFFFFF  }
0xb4: {  	_ =	strace $0x90000048  }
0xb5: {  	_ =	sfence  }
0xb6: {  	s30 =	sld [smem:$0x0];
	_ =	sdelay $0x2  }
0xb7: {  	s31 =	sshll.u32 s1, $0xD;
	s1 =	sshrl.u32 s1, $0x2  }
0xb8: {  	s3 =	sand.u32 $0x4000, s31;
	s1 =	sadd.s32 s1, s30  }
0xb9: {  	s0 =	sor.u32 s3, s0;
	s1 =	sshll.u32 s1, $0x11  }
0xba: {  	s0 =	sor.u32 s1, s0  }
0xbb: {  	s0 =	sadd.s32 $0x8F2B, s0  }
0xbc: {  	[sflag:s0] =	ssyncadd.remote.s32 $0x1  }
0xbd: {  	_ =	sfence.sel $0xFFFF  }
0xbe: {  	[dreg:$0x0] =	wrdreg $0xFFFFFFFF;
	(pc) =	sbr.abs _section_cstart, $3  }
0xbf: {  	[dreg:$0x1] =	wrdreg $0xFFFFFFFF  }
0xc0: {  	_ =	task.clear_ibuf [dreg:s6], $0x2FFFF;
	_ =	strace $0x9FFFFFFF  }
0xc1: {  	(tm) =	ssettm $0x7FFFFFFF  }
tec
execute0_lowered:
.L_overlay_start_1:
0x0: {  	(tag) =	ssettag $0x1  }
0x1: {  	v0 =	vimm.s32 $0xFEDCBA98  }
0x2: {  	v1 =	vimm.s32 $0x76543210;
	v2 =	vimm.s32 $0xBA98FEDC;
	v3 =	vimm.s32 $0x32107654  }
0x3: {  	v4 =	vimm.s32 $0xDCFE98BA;
	v5 =	vimm.s32 $0x54761032;
	v6 =	vimm.s32 $0xEFCDAB89  }
0x4: {  	s1 =	srdreg.scid;
	s0 =	stileid.u32;
	v7 =	vimm.s32 $0x67452301;
	v0 =	vunpack.c.l.s4.s8 v0;
	v1 =	vunpack.c.l.s4.s8 v1  }
0x5: {  	s4 =	sand.u32 $0x1, s1;
	s2 =	sshll.u32 s0, $0x1;
	v2 =	vunpack.c.l.s4.s8 v2;
	v3 =	vunpack.c.l.s4.s8 v3;
	v4 =	vunpack.c.l.s4.s8 v4  }
0x6: {  	s3 =	rddreg [dreg:$0x0];
	v5 =	vunpack.c.l.s4.s8 v5;
	v6 =	vunpack.c.l.s4.s8 v6;
	v7 =	vunpack.c.l.s4.s8 v7;
	s5 =	sor.u32 s4, s2  }
0x7: {  	s7 =	simm.s32 $0x3800;
	s8 =	simm.s32 $0x0;
	v0 =	vunpack.c.0.s8.s32 v0;
	v1 =	vunpack.c.0.s8.s32 v1;
	s5 =	smul.u32 $0x700, s5;
	v2 =	vunpack.c.0.s8.s32 v2  }
0x8: {  	s1 =	rddreg [dreg:$0x1];
	s2 =	simm.s32 $0x0;
	s4 =	ssub.s32 $0x2, s4;
	v3 =	vunpack.c.0.s8.s32 v3;
	v4 =	vunpack.c.0.s8.s32 v4;
	v5 =	vunpack.c.0.s8.s32 v5  }
0x9: {  	[smem:$0x7FF] =	sst s2;
	s6 =	sshrl.u32 s4, $0x1;
	v6 =	vunpack.c.0.s8.s32 v6;
	v7 =	vunpack.c.0.s8.s32 v7;
	v0 =	vand.u32 $0xF, v0;
	s5 =	sadd.s32 s5, s3  }
0xa: {  	_ =	strace $0x80000047;
	s6 =	ssub.s32 s4, s6;
	v0 =	vcombine.low v0, v1;
	v1 =	vcombine.low v3, v2;
	s3 =	sadd.s32 $0xA00, s5  }
0xb: {  	s4 =	sadd.s32 $0xEA00, s5;
	s5 =	smax.u32 s6, $0x1;
	v2 =	vcombine.low v5, v4;
	s6 =	simm.s32 $0x1;
	v3 =	vcombine.low v7, v6  }
.LBB2_1:
0xc: {  	[tilespmem:s2], [sflag:$0x1] =	stream.linear.gather [hbm4b:s3+s2], $0x3700, $0x38;
	[tilespmem:$0x7000] =	vst v63  }
0xd: {  	_ =	swait.ge [sflag:s6], $0x3700  }
0xe: {  	[sflag:s6] =	ssyncset.done $0x0  }
0xf: {  	s12 =	simm.s32 $0x0;
	[sflag:s6] =	ssyncadd.s32 $0xFFFFC900  }
0x10: {  	v4 =	vld [tilespmem:s12+$0x0];
	_ =	sdelay $0x1  }
0x11: {  	v5 =	vld [tilespmem:s12+$0x10];
	_ =	sdelay $0x1  }
0x12: {  	v6 =	vld [tilespmem:s12+$0x20]  }
0x13: {  	v4 =	vmul.f32 $1.442695020e+00, v4  }
0x14: {  	v7 =	vld [tilespmem:s12+$0x30]  }
0x15: {  	v5 =	vmul.f32 $1.442695020e+00, v5;
	(erf) = vpow2.f32 v4  }
0x16: {  	v4 =	vld [tilespmem:s12+$0x40]  }
0x17: {  	v6 =	vmul.f32 $1.442695020e+00, v6;
	(erf) = vpow2.f32 v5  }
0x18: {  	v5 =	vld [tilespmem:s12+$0x50]  }
0x19: {  	v7 =	vmul.f32 $1.442695020e+00, v7;
	(erf) = vpow2.f32 v6  }
0x1a: {  	v6 =	vld [tilespmem:s12+$0x60]  }
0x1b: {  	s9 =	simm.s32 $0x80;
	(erf) = vpow2.f32 v7;
	v4 =	vmul.f32 $1.442695020e+00, v4  }
0x1c: {  	v7 =	vld [tilespmem:s9+$0x0]  }
0x1d: {  	v5 =	vmul.f32 $1.442695020e+00, v5;
	(erf) = vpow2.f32 v4  }
0x1e: {  	v15 =	vpop (erf)  }
0x1f: {  	v4 =	vld [tilespmem:s9+$0x10];
	v6 =	vmul.f32 $1.442695020e+00, v6;
	(erf) = vpow2.f32 v5;
	v5 =	vadd.f32 $0.0e+00, v15  }
0x20: {  	v16 =	vpop (erf)  }
0x21: {  	(erf) = vpow2.f32 v6;
	v6 =	vmul.f32 $1.442695020e+00, v7;
	v7 =	vld [tilespmem:s9+$0x30];
	v5 =	vadd.f32 v16, v5  }
0x22: {  	v8 =	vld [tilespmem:s9+$0x20];
	v17 =	vpop (erf)  }
0x23: {  	v5 =	vadd.f32 v17, v5  }
0x24: {  	v19 =	vpop (erf);
	v4 =	vmul.f32 $1.442695020e+00, v4;
	(erf) = vpow2.f32 v6  }
0x25: {  	v6 =	vld [tilespmem:s9+$0x40];
	v5 =	vadd.f32 v19, v5  }
0x26: {  	(erf) = vpow2.f32 v4;
	v4 =	vld [tilespmem:s9+$0x50];
	v7 =	vmul.f32 $1.442695020e+00, v7;
	v14 =	vpop (erf)  }
0x27: {  	v8 =	vmul.f32 $1.442695020e+00, v8;
	v5 =	vadd.f32 v14, v5  }
0x28: {  	v21 =	vpop (erf)  }
0x29: {  	(erf) = vpow2.f32 v8;
	v5 =	vadd.f32 v21, v5  }
0x2a: {  	v8 =	vld [tilespmem:s9+$0x60];
	(erf) = vpow2.f32 v7;
	v7 =	vpop (erf)  }
0x2b: {  	s10 =	simm.s32 $0x100;
	v6 =	vmul.f32 $1.442695020e+00, v6;
	v7 =	vadd.f32 v7, v5;
	v5 =	vmul.f32 $1.442695020e+00, v4  }
0x2c: {  	v9 =	vld [tilespmem:s10+$0x0]  }
0x2d: {  	(erf) = vpow2.f32 v6;
	v4 =	vpop (erf)  }
0x2e: {  	v10 =	vld [tilespmem:s10+$0x10];
	v11 =	vadd.f32 $0.0e+00, v4;
	v6 =	vperm.xlane v7, v0  }
0x2f: {  	v8 =	vmul.f32 $1.442695020e+00, v8;
	(erf) = vpow2.f32 v5;
	v5 =	vpop (erf)  }
0x30: {  	v12 =	vld [tilespmem:s10+$0x20];
	v6 =	vadd.f32 v7, v6;
	v7 =	vadd.f32 v5, v11  }
0x31: {  	(erf) = vpow2.f32 v8;
	v8 =	vmul.f32 $1.442695020e+00, v9  }
0x32: {  	v13 =	vld [tilespmem:s10+$0x30];
	v11 =	vpop (erf);
	v9 =	vperm.xlane v6, v1  }
0x33: {  	v20 =	vld [tilespmem:s10+$0x40];
	v10 =	vmul.f32 $1.442695020e+00, v10;
	(erf) = vpow2.f32 v8;
	v18 =	vadd.f32 v11, v7  }
0x34: {  	v8 =	vadd.f32 v6, v9;
	v7 =	vpop (erf)  }
0x35: {  	v22 =	vld [tilespmem:s12+$0x5E];
	v9 =	vmul.f32 $1.442695020e+00, v12;
	(erf) = vpow2.f32 v10;
	v12 =	vadd.f32 v7, v18  }
0x36: {  	v18 =	vld [tilespmem:s10+$0x50];
	v6 =	vpop (erf);
	v10 =	vperm.xlane v8, v2  }
0x37: {  	v23 =	vmul.f32 $1.442695020e+00, v13;
	(erf) = vpow2.f32 v9;
	v12 =	vadd.f32 v6, v12  }
0x38: {  	v9 =	vmul.f32 $1.442695020e+00, v20;
	v13 =	vpop (erf);
	v8 =	vadd.f32 v8, v10  }
0x39: {  	(erf) = vpow2.f32 v23;
	v10 =	vld [tilespmem:s10+$0x60];
	v12 =	vadd.f32 v13, v12  }
0x3a: {  	s11 =	simm.s32 $0x180;
	(erf) = vpow2.f32 v9;
	v20 =	vpop (erf);
	v23 =	vperm.xlane v8, v3  }
0x3b: {  	v18 =	vmul.f32 $1.442695020e+00, v18;
	v12 =	vadd.f32 v20, v12;
	v20 =	vmul.f32 $1.442695020e+00, v22;
	v22 =	vld [tilespmem:s11+$0x0]  }
0x3c: {  	v23 =	vadd.f32 v8, v23;
	v8 =	vpop (erf)  }
0x3d: {  	v24 =	vld [tilespmem:s11+$0x10];
	(erf) = vpow2.f32 v18;
	v25 =	vadd.f32 $0.0e+00, v8;
	v18 =	vperm.xlane v12, v0  }
0x3e: {  	v26 =	vld [tilespmem:s11+$0x20];
	v10 =	vmul.f32 $1.442695020e+00, v10;
	(erf) = vrcp.f32 v23;
	v9 =	vpop (erf)  }
0x3f: {  	(erf) = vpow2.f32 v20;
	v25 =	vadd.f32 v9, v25;
	v18 =	vadd.f32 v12, v18  }
0x40: {  	v27 =	vld [tilespmem:s11+$0x30];
	(erf) = vpow2.f32 v10;
	v12 =	vpop (erf);
	v22 =	vmul.f32 $1.442695020e+00, v22  }
0x41: {  	v20 =	vld [tilespmem:s11+$0x40];
	v25 =	vadd.f32 v12, v25;
	v28 =	vperm.xlane v18, v1  }
0x42: {  	v24 =	vmul.f32 $1.442695020e+00, v24;
	v10 =	vpop (erf);
	(erf) = vpow2.f32 v22  }
0x43: {  	v22 =	vmul.f32 $1.442695020e+00, v26;
	v25 =	vadd.f32 v10, v25;
	v28 =	vadd.f32 v18, v28  }
0x44: {  	v18 =	vpop (erf)  }
0x45: {  	v26 =	vld [tilespmem:s11+$0x50];
	(erf) = vpow2.f32 v24;
	v25 =	vadd.f32 v18, v25;
	v24 =	vperm.xlane v28, v2  }
0x46: {  	v30 =	vld [tilespmem:s9+$0x5E];
	v27 =	vmul.f32 $1.442695020e+00, v27;
	v29 =	vmul.f32 $1.442695020e+00, v20;
	v20 =	vpop (erf)  }
0x47: {  	vm0 =	vgt.f32 v23, $0.0e+00;
	(erf) = vpow2.f32 v22;
	v22 =	vpop (erf);
	v31 =	vadd.f32 v28, v24  }
0x48: {  	(erf) = vpow2.f32 v27;
	v24 =	vadd.f32 v20, v25;
	v22 =	vnsel vm0, $0x0, v22;
	v28 =	vpop (erf)  }
0x49: {  	v23 =	vld [tilespmem:s11+$0x60];
	v25 =	vpop (erf);
	v33 =	vmul.f32 v22, v21;
	v32 =	vperm.xlane v31, v3  }
0x4a: {  	s13 =	simm.s32 $0x200;
	v27 =	vmul.f32 $1.442695020e+00, v26;
	(erf) = vpow2.f32 v29;
	v25 =	vadd.f32 v25, v24  }
0x4b: {  	s14 =	simm.s32 $0xA00;
	v26 =	vmul.f32 $1.442695020e+00, v30;
	v28 =	vmul.f32 v28, v22;
	v24 =	vld [tilespmem:s13+$0x0];
	[tilespmem:s12+$0x3850] =	vst v33;
	v21 =	vadd.f32 v31, v32  }
.LBB2_2:
0x4c: {  	v29 =	vpop (erf);
	(erf) = vpow2.f32 v27;
	v27 =	vperm.xlane v25, v0  }
0x4d: {  	p0 =	sne.s32 s14, $0xDA00;
	[tilespmem:s12+$0x385E] =	vst v28;
	v28 =	vmovc v14;
	v14 =	vmovc v6;
	v6 =	vmov v18;
	v30 =	vmov v13;
	v13 =	vmov v20  }
0x4e: {  	v18 =	vld [tilespmem:s13+$0x10];
	v20 =	vadd.f32 $0.0e+00, v29;
	v23 =	vmul.f32 $1.442695020e+00, v23;
	(erf) = vrcp.f32 v21  }
0x4f: {  	v31 =	vld [tilespmem:s13+$0x20];
	v32 =	vpop (erf);
	v25 =	vadd.f32 v25, v27;
	(erf) = vpow2.f32 v26;
	v26 =	vmul.f32 v22, v15  }
0x50: {  	v35 =	vmul.f32 v22, v16;
	v15 =	vmovc v4;
	v4 =	vmovc v8;
	v27 =	vld [tilespmem:s13+$0x40];
	v20 =	vadd.f32 v32, v20;
	(erf) = vpow2.f32 v23  }
0x51: {  	v8 =	vmov v29;
	v23 =	vmul.f32 $1.442695020e+00, v24;
	v24 =	vld [tilespmem:s13+$0x30];
	v33 =	vpop (erf);
	v34 =	vperm.xlane v25, v1;
	[tilespmem:s12+$0x3800] =	vst v26  }
0x52: {  	v36 =	vmul.f32 v22, v17;
	v19 =	vmul.f32 v22, v19;
	v20 =	vadd.f32 v33, v20;
	v29 =	vpop (erf);
	[tilespmem:s12+$0x3810] =	vst v35  }
0x53: {  	v16 =	vmovc v5;
	v5 =	vmovc v9;
	v35 =	vmul.f32 $1.442695020e+00, v18;
	(erf) = vpow2.f32 v23;
	v23 =	vadd.f32 v25, v34  }
0x54: {  	v22 =	vmul.f32 v22, v28;
	v9 =	vmovc v32;
	v25 =	vmul.f32 $1.442695020e+00, v31;
	v34 =	vadd.f32 v29, v20;
	[tilespmem:s12+$0x3820] =	vst v36  }
0x55: {  	v17 =	vmov v11;
	v26 =	vld [tilespmem:s13+$0x50];
	(erf) = vpow2.f32 v35;
	v18 =	vpop (erf);
	v28 =	vperm.xlane v23, v2;
	[tilespmem:s12+$0x3830] =	vst v19  }
0x56: {  	v31 =	vmul.f32 $1.442695020e+00, v27;
	v36 =	vmul.f32 $1.442695020e+00, v24;
	v19 =	vadd.f32 v18, v34;
	v20 =	vpop (erf);
	v32 =	vld [tilespmem:s10+$0x5E];
	[tilespmem:s12+$0x3840] =	vst v22;
	s12 =	smov.u32 s9;
	s9 =	smov.u32 s10;
	s10 =	smov.u32 s11  }
.Ltmp0:
0x57: {  	vm0 =	vgt.f32 v21, $0.0e+00;
	s11 =	smov.u32 s13;
	(erf) = vpow2.f32 v25;
	v34 =	vadd.f32 v23, v28;
	v21 =	vpop (erf);
	(pc) =	sbr.rel @p0 .LBB2_2-.Ltmp0, $4  }
0x58: {  	v23 =	vld [tilespmem:s11+$0x60];
	(erf) = vpow2.f32 v36;
	v36 =	vadd.f32 v20, v19;
	v22 =	vnsel vm0, $0x0, v21;
	v21 =	vpop (erf)  }
0x59: {  	v11 =	vmov v12;
	v24 =	vpop (erf);
	v35 =	vperm.xlane v34, v3;
	v30 =	vmul.f32 v22, v30  }
0x5a: {  	v12 =	vmovc v33;
	s13 =	sshra.s32 s14, $0x2;
	v28 =	vmul.f32 v21, v22;
	v27 =	vmul.f32 $1.442695020e+00, v26;
	v25 =	vadd.f32 v24, v36;
	v19 =	vmovc v7  }
0x5b: {  	s14 =	sadd.s32 $0x200, s14;
	v7 =	vmovc v10;
	v10 =	vmovc v29;
	v24 =	vld [tilespmem:s13+$0x0];
	(erf) = vpow2.f32 v31;
	v21 =	vadd.f32 v34, v35;
	v26 =	vmul.f32 $1.442695020e+00, v32;
	[tilespmem:s12+$0x3850] =	vst v30  }
0x5c: {  	[tilespmem:s12+$0x385E] =	vst v28;
	(erf) = vpow2.f32 v27;
	v45 =	vperm.xlane v25, v0  }
0x5d: {  	v15 =	vmul.f32 v22, v15;
	v16 =	vmul.f32 v22, v16;
	v28 =	vld [tilespmem:s13+$0x10]  }
0x5e: {  	v48 =	vmul.f32 v22, v17;
	(erf) = vrcp.f32 v21;
	v29 =	vld [tilespmem:s13+$0x20];
	v25 =	vadd.f32 v25, v45  }
0x5f: {  	v23 =	vmul.f32 $1.442695020e+00, v23;
	(erf) = vpow2.f32 v26  }
0x60: {  	v46 =	vld [tilespmem:s13+$0x40];
	v24 =	vmul.f32 $1.442695020e+00, v24;
	v30 =	vperm.xlane v25, v1  }
0x61: {  	v49 =	vmul.f32 v22, v19;
	v47 =	vld [tilespmem:s13+$0x30];
	[tilespmem:s12+$0x3800] =	vst v15;
	(erf) = vpow2.f32 v23  }
0x62: {  	v17 =	vpop (erf);
	[tilespmem:s12+$0x3810] =	vst v16;
	v50 =	vmul.f32 $1.442695020e+00, v28;
	(erf) = vpow2.f32 v24;
	v51 =	vadd.f32 v25, v30  }
0x63: {  	v14 =	vmul.f32 v22, v14;
	v55 =	vadd.f32 $0.0e+00, v17;
	[tilespmem:s12+$0x3820] =	vst v48;
	v15 =	vpop (erf);
	v52 =	vmul.f32 $1.442695020e+00, v29  }
0x64: {  	v53 =	vld [tilespmem:s13+$0x50];
	v25 =	vpop (erf);
	(erf) = vpow2.f32 v50;
	v54 =	vperm.xlane v51, v2  }
0x65: {  	[tilespmem:s12+$0x3830] =	vst v49;
	v58 =	vadd.f32 v15, v55;
	v16 =	vpop (erf)  }
0x66: {  	v56 =	vld [tilespmem:s10+$0x5E];
	[tilespmem:s12+$0x3840] =	vst v14;
	v27 =	vmul.f32 $1.442695020e+00, v47;
	v30 =	vpop (erf);
	(erf) = vpow2.f32 v52;
	v57 =	vadd.f32 v51, v54  }
0x67: {  	v61 =	vld [tilespmem:s13+$0x60];
	v59 =	vmul.f32 $1.442695020e+00, v46;
	v19 =	vadd.f32 v25, v58;
	v60 =	vpop (erf)  }
0x68: {  	v62 =	vpop (erf);
	(erf) = vpow2.f32 v27;
	v63 =	vperm.xlane v57, v3  }
0x69: {  	v22 =	vmul.f32 $1.442695020e+00, v53;
	v19 =	vadd.f32 v16, v19;
	v31 =	vpop (erf)  }
0x6a: {  	(erf) = vpow2.f32 v59;
	v32 =	vpop (erf);
	v14 =	vadd.f32 v57, v63  }
0x6b: {  	v34 =	vmul.f32 $1.442695020e+00, v56;
	v19 =	vadd.f32 v30, v19;
	v27 =	vpop (erf);
	(erf) = vpow2.f32 v22  }
0x6c: {  	v26 =	vmul.f32 $1.442695020e+00, v61;
	v35 =	vadd.f32 $0.0e+00, v27;
	(erf) = vrcp.f32 v14  }
0x6d: {  	v19 =	vadd.f32 v60, v19;
	v36 =	vpop (erf);
	(erf) = vpow2.f32 v34  }
0x6e: {  	v22 =	vadd.f32 v36, v35;
	(erf) = vpow2.f32 v26  }
0x6f: {  	v19 =	vadd.f32 v32, v19;
	v37 =	vpop (erf)  }
0x70: {  	v22 =	vadd.f32 v37, v22  }
0x71: {  	vm0 =	vgt.f32 v21, $0.0e+00;
	v39 =	vperm.xlane v19, v0;
	v38 =	vpop (erf)  }
0x72: {  	v28 =	vnsel vm0, $0x0, v62;
	v22 =	vadd.f32 v38, v22  }
0x73: {  	v13 =	vmul.f32 v28, v13;
	v19 =	vadd.f32 v19, v39;
	v40 =	vpop (erf)  }
0x74: {  	v4 =	vmul.f32 v28, v4;
	v22 =	vadd.f32 v40, v22;
	v33 =	vpop (erf)  }
0x75: {  	v5 =	vmul.f32 v28, v5;
	[tilespmem:s9+$0x3850] =	vst v13;
	v42 =	vperm.xlane v19, v1;
	v41 =	vpop (erf)  }
0x76: {  	v31 =	vmul.f32 v31, v28;
	[tilespmem:s9+$0x3800] =	vst v4;
	v22 =	vadd.f32 v33, v22;
	v34 =	vpop (erf)  }
0x77: {  	v4 =	vmul.f32 v28, v11;
	[tilespmem:s9+$0x3810] =	vst v5;
	v43 =	vadd.f32 v19, v42;
	v35 =	vpop (erf)  }
0x78: {  	v5 =	vmul.f32 v28, v7;
	[tilespmem:s9+$0x385E] =	vst v31;
	v22 =	vadd.f32 v35, v22  }
0x79: {  	[tilespmem:s9+$0x3820] =	vst v4;
	v4 =	vperm.xlane v43, v2  }
0x7a: {  	[tilespmem:s9+$0x3830] =	vst v5;
	v44 =	vperm.xlane v22, v0  }
0x7b: {  	vm13 =	vgt.f32 v14, $0.0e+00;
	v45 =	vld [tilespmem:s11+$0x5E];
	v4 =	vadd.f32 v43, v4  }
0x7c: {  	v6 =	vmul.f32 v28, v6;
	v5 =	vnsel vm13, $0x0, v41;
	v7 =	vadd.f32 v22, v44  }
0x7d: {  	v46 =	vmul.f32 v5, v20;
	v49 =	vperm.xlane v4, v3  }
0x7e: {  	[tilespmem:s9+$0x3840] =	vst v6;
	v8 =	vmul.f32 v5, v8;
	v48 =	vperm.xlane v7, v1  }
0x7f: {  	v50 =	vmul.f32 v5, v9;
	[tilespmem:s10+$0x3850] =	vst v46;
	v4 =	vadd.f32 v4, v49  }
0x80: {  	v54 =	vmul.f32 $1.442695020e+00, v45;
	v51 =	vmul.f32 v5, v12;
	[tilespmem:s10+$0x3800] =	vst v8;
	v7 =	vadd.f32 v7, v48  }
0x81: {  	v52 =	vmul.f32 v5, v10;
	[tilespmem:s10+$0x3810] =	vst v50;
	(erf) = vrcp.f32 v4  }
0x82: {  	v47 =	vmul.f32 v34, v5;
	[tilespmem:s10+$0x3820] =	vst v51;
	v53 =	vperm.xlane v7, v2  }
0x83: {  	[tilespmem:s10+$0x3830] =	vst v52;
	(erf) = vpow2.f32 v54  }
0x84: {  	[tilespmem:s10+$0x385E] =	vst v47;
	v55 =	vadd.f32 v7, v53  }
0x85: {  	v56 =	vld [tilespmem:s13+$0x5E]  }
0x86: {  	v57 =	vperm.xlane v55, v3;
	_ =	sdelay $0x1  }
0x87: {  	v6 =	vadd.f32 v55, v57;
	_ =	sdelay $0x1  }
0x88: {  	vm14 =	vgt.f32 v4, $0.0e+00;
	v7 =	vmul.f32 $1.442695020e+00, v56;
	v4 =	vpop (erf);
	(erf) = vrcp.f32 v6  }
0x89: {  	v5 =	vmul.f32 v5, v18;
	v4 =	vnsel vm14, $0x0, v4  }
0x8a: {  	v58 =	vpop (erf);
	v59 =	vmul.f32 v4, v60;
	(erf) = vpow2.f32 v7  }
0x8b: {  	[tilespmem:s10+$0x3840] =	vst v5;
	v5 =	vmul.f32 v58, v4  }
0x8c: {  	[tilespmem:s11+$0x3850] =	vst v59  }
0x8d: {  	[tilespmem:s11+$0x385E] =	vst v5;
	v5 =	vmul.f32 v4, v15;
	_ =	sdelay $0x1  }
0x8e: {  	v60 =	vmul.f32 v4, v17;
	[tilespmem:s11+$0x3810] =	vst v5;
	v5 =	vmul.f32 v4, v16  }
0x8f: {  	v61 =	vmul.f32 v4, v25  }
0x90: {  	[tilespmem:s11+$0x3800] =	vst v60;
	vm15 =	vgt.f32 v6, $0.0e+00;
	v62 =	vpop (erf)  }
0x91: {  	[tilespmem:s11+$0x3820] =	vst v61;
	v4 =	vmul.f32 v4, v30;
	v6 =	vnsel vm15, $0x0, v62  }
0x92: {  	[tilespmem:s11+$0x3830] =	vst v5;
	v5 =	vpop (erf);
	v63 =	vmul.f32 v6, v33  }
0x93: {  	[tilespmem:s11+$0x3840] =	vst v4;
	v4 =	vmul.f32 v5, v6;
	v5 =	vmul.f32 v6, v27  }
0x94: {  	[tilespmem:s13+$0x3850] =	vst v63  }
0x95: {  	[tilespmem:s13+$0x3800] =	vst v5;
	v5 =	vmul.f32 v6, v37  }
0x96: {  	[tilespmem:s13+$0x385E] =	vst v4;
	v4 =	vmul.f32 v6, v36  }
0x97: {  	[tilespmem:s13+$0x3820] =	vst v5;
	v5 =	vmul.f32 v6, v40  }
0x98: {  	s8 =	sadd.s32 $0x1, s8;
	[tilespmem:s13+$0x3810] =	vst v4;
	v4 =	vmul.f32 v6, v38  }
0x99: {  	p0 =	sne.s32 s8, s5;
	[tilespmem:s13+$0x3840] =	vst v5  }
.Ltmp1:
0x9a: {  	[tilespmem:s13+$0x3830] =	vst v4;
	(pc) =	sbr.rel @p0 .LBB2_1-.Ltmp1, $4  }
0x9b: {  	[hbm4b:s4+s2] =	stream.linear.scatter [tilespmem:s7], [sflag:$0x1], $0x3700, $0x38;
	[tilespmem:$0x7000] =	vst v63  }
0x9c: {  	_ =	swait.ge [sflag:s6], $0x3700  }
0x9d: {  	[sflag:s6] =	ssyncset.done $0x0  }
0x9e: {  	[sflag:s6] =	ssyncadd.s32 $0xFFFFC900  }
0x9f: {  	_ =	sfence.sel $0x180000  }
0xa0: {  	[bflag:$0x0] =	sbarrier.arrive $0xFFFF  }
0xa1: {  	p0 =	sne.s32 s0, $0x0;
	_ =	strace $0x90000047  }
0xa2: {  	s0 =	sadd.s32 @!p0 $0x100000, s1;
	[bflag:$0x2] =	sbarrier.arrive $0xFFFF  }
0xa3: {  	[sflag:s0] =	ssyncadd.tile.s32 @!p0 $0x1;
	_ =	shalt  }
.Lfunc_end2:
_tile_overlayer_lowered:
.L_overlay_start_2:
0xa4: {  	(tag) =	ssettag $0x2  }
0xa5: {  	s0 =	rddreg [dreg:$0x0];
	s2 =	stileid.u32  }
0xa6: {  	s1 =	rddreg [dreg:$0x1];
	p0 =	sne.s32 s2, $0x0  }
0xa7: {  	s3 =	rddreg [dreg:$0x2];
	[bflag:$0x3] =	sbarrier.arrive $0xFFFF;
	s2 =	simm.s32 @!p0 $0x1C01  }
0xa8: {  	[timem:s3], [sflag:s2] =	dma.local @!p0 [hbm:s0], s1  }
0xa9: {  	s0 =	simm.s32 @!p0 $0x1  }
0xaa: {  	_ =	swait.ge @!p0 [sflag:s0], s1  }
0xab: {  	s1 =	ssub.s32 @!p0 $0x0, s1;
	[sflag:s0] =	ssyncset.done @!p0 $0x0  }
0xac: {  	[sflag:s0] =	ssyncadd.s32 @!p0 s1  }
0xad: {  	[bflag:$0x3] =	sbarrier.arrive $0xFFFF  }
0xae: {  	_ =	shalt  }

</sc_bundles>
